<compile_context>
chip_gen: v7x
topology: tpu7x:2x2x1
jax: 0.10.2.dev20260603
libtpu: 0.0.44.dev20260713+nightly
codegen_flags: <defaults>
</compile_context>

<pallas_src>
import functools

import jax
import jax.numpy as jnp
from jax import lax
from jax.experimental import pallas as pl
from jax.experimental.pallas import tpu as pltpu
from jax.experimental.pallas import tpu_sc as plsc

_VOCAB_PAD = 30720
_BLK = 2048
_SEQ = 200
_BATCH = 4096
_OUT = 2
_NC, _NS, _L = 2, 16, 16
_NW = _NC * _NS
_BPW = _BATCH // _NW
_G = _BPW // _L


def _project_body(wt_ref, e_ref, b_ref, t_ref):
    t2 = (
        lax.dot_general(
            wt_ref[...], e_ref[...],
            dimension_numbers=(((1,), (1,)), ((), ())),
            preferred_element_type=jnp.float32,
        )
        + b_ref[...]
    )
    u = lax.bitcast_convert_type(t2.astype(jnp.bfloat16), jnp.uint16)
    lo = u[0:1].astype(jnp.uint32)
    hi = u[1:2].astype(jnp.uint32) << 16
    t_ref[...] = lax.bitcast_convert_type(hi | lo, jnp.int32)


def _project_t(emb_table, W, b):
    d = emb_table.shape[1]
    return pl.pallas_call(
        _project_body,
        grid=(_VOCAB_PAD // _BLK,),
        in_specs=[
            pl.BlockSpec((_OUT, d), lambda i: (0, 0)),
            pl.BlockSpec((_BLK, d), lambda i: (i, 0)),
            pl.BlockSpec((_OUT, 1), lambda i: (0, 0)),
        ],
        out_specs=pl.BlockSpec((1, _BLK), lambda i: (0, i)),
        out_shape=jax.ShapeDtypeStruct((1, _VOCAB_PAD), jnp.int32),
    )(W.T, emb_table, b.reshape(_OUT, 1))


def _sc_body(t_hbm, x_hbm, out_hbm, t_v, x_v, o_v):
    wid = lax.axis_index("s") * _NC + lax.axis_index("c")
    pltpu.sync_copy(t_hbm, t_v)
    pltpu.sync_copy(x_hbm.at[:, pl.ds(wid * _BPW, _BPW)], x_v)
    inv_l = jnp.float32(1.0 / _SEQ)
    hmask = jnp.full((_L,), jnp.uint32(0xFFFF0000)).astype(jnp.int32)
    z = jnp.zeros((_L,), jnp.float32)
    for g in range(_G):
        @plsc.parallel_loop(0, _SEQ, step=4, unroll=2,
                            carry=(z, z, z, z, z, z, z, z))
        def body(l, accs, _g=g):
            a0, a1, b0, b1, c0, c1, d0, d1 = accs
            pa = plsc.load_gather(t_v, [x_v[l, pl.ds(_g * _L, _L)]])
            pb = plsc.load_gather(t_v, [x_v[l + 1, pl.ds(_g * _L, _L)]])
            pc = plsc.load_gather(t_v, [x_v[l + 2, pl.ds(_g * _L, _L)]])
            pd = plsc.load_gather(t_v, [x_v[l + 3, pl.ds(_g * _L, _L)]])
            a0 = a0 + plsc.bitcast(pa << 16, jnp.float32)
            a1 = a1 + plsc.bitcast(pa & hmask, jnp.float32)
            b0 = b0 + plsc.bitcast(pb << 16, jnp.float32)
            b1 = b1 + plsc.bitcast(pb & hmask, jnp.float32)
            c0 = c0 + plsc.bitcast(pc << 16, jnp.float32)
            c1 = c1 + plsc.bitcast(pc & hmask, jnp.float32)
            d0 = d0 + plsc.bitcast(pd << 16, jnp.float32)
            d1 = d1 + plsc.bitcast(pd & hmask, jnp.float32)
            return a0, a1, b0, b1, c0, c1, d0, d1

        a0, a1, b0, b1, c0, c1, d0, d1 = body
        o_v[0, pl.ds(g * _L, _L)] = ((a0 + b0) + (c0 + d0)) * inv_l
        o_v[1, pl.ds(g * _L, _L)] = ((a1 + b1) + (c1 + d1)) * inv_l
    pltpu.sync_copy(o_v, out_hbm.at[wid])


_sc_pool = functools.partial(
    pl.kernel,
    out_type=jax.ShapeDtypeStruct((_NW, _OUT, _BPW), jnp.float32),
    mesh=plsc.VectorSubcoreMesh(
        core_axis_name="c", subcore_axis_name="s",
        num_cores=_NC, num_subcores=_NS,
    ),
    scratch_types=[
        pltpu.VMEM((_VOCAB_PAD,), jnp.int32),
        pltpu.VMEM((_SEQ, _BPW), jnp.int32),
        pltpu.VMEM((_OUT, _BPW), jnp.float32),
    ],
    compiler_params=pltpu.CompilerParams(needs_layout_passes=False),
)(_sc_body)


def kernel(x, attention_mask, emb_table, W, b):
    t = _project_t(emb_table, W, b).reshape(-1)
    xt = x.T
    out = _sc_pool(t, xt)
    return out.transpose(0, 2, 1).reshape(_BATCH, _OUT)

# --- scband reference (transcript-rebuilt; emitter-appended) ---
"""Pipeline reference for scband-sequence-averaging-model-22539988370184 (READ-ONLY COPY).

The authoritative reference and input builder live on the scoring server;
editing this copy changes nothing except your own understanding.
"""

import jax, jax.numpy as jnp
import numpy as np

VOCAB = 30522
EMBED_DIM = 768
OUT_DIM = 2
BATCH = 4096
SEQ = 200

def setup_inputs(seed: int = 0) -> dict:
    key = jax.random.key(seed)
    k1, k2, k3, k4 = jax.random.split(key, 4)
    x = jax.random.randint(k1, (BATCH, SEQ), 0, VOCAB, dtype=jnp.int32)
    attention_mask = jnp.ones((BATCH, SEQ), dtype=jnp.int32)
    emb_table = jax.random.normal(k2, (VOCAB, EMBED_DIM), dtype=jnp.float32) * 0.02
    W = jax.random.normal(k3, (EMBED_DIM, OUT_DIM), dtype=jnp.float32) * 0.05
    b = jnp.zeros((OUT_DIM,), dtype=jnp.float32)
    return {"x": x, "attention_mask": attention_mask, "emb_table": emb_table, "W": W, "b": b}

def reference(x, attention_mask, emb_table, W, b):
    # embedding lookup (gather rows of the table)
    embeddings = jnp.take(emb_table, x, axis=0)          # [B, L, D]
    averaged_embeddings = jnp.mean(embeddings, axis=1)   # [B, D]
    output = averaged_embeddings @ W + b                 # [B, 2]
    return output

if __name__ == "__main__":
    import jax
    _d = setup_inputs()
    print(jax.jit(kernel)(*tuple(_d.values())))

</pallas_src>

<mosaic_0001>
#map = affine_map<(d0, d1) -> (0)>
#map1 = affine_map<(d0, d1) -> (0, 0)>
#map2 = affine_map<(d0, d1) -> (0, 0, 0)>
module attributes {stable_mosaic.version = 14 : i64} {
  func.func @_sc_body(%arg0: i32, %arg1: i32, %arg2: memref<30720xi32, #tpu.memory_space<hbm>>, %arg3: memref<200x4096xi32, #tpu.memory_space<hbm>>, %arg4: memref<32x2x128xf32, #tpu.memory_space<hbm>>, %arg5: memref<30720xi32, #tpu.memory_space<vmem>>, %arg6: memref<200x128xi32, #tpu.memory_space<vmem>>, %arg7: memref<2x128xf32, #tpu.memory_space<vmem>>) attributes {dimension_semantics = [#tpu.dimension_semantics<core_parallel>, #tpu.dimension_semantics<subcore_parallel>], iteration_bounds = array<i64: 2, 16>, scalar_prefetch = 0 : i64, scratch_operands = 3 : i64, tpu.core_type = #tpu.core_type<sc_vector_subcore>, window_params = [{transform_indices = #map}, {transform_indices = #map1}, {transform_indices = #map2}]} {
    %mul3A = arith.constant 2 : i32
    %mul3A_0 = arith.muli %arg1, %mul3A : i32
    %add3A = arith.addi %mul3A_0, %arg0 : i32
    "tpu.region"() ({
      %run_scoped3A = tpu.sem_alloc : memref<!tpu.dma_semaphore, #tpu.memory_space<semaphore_mem>>
      tpu.enqueue_dma source(%arg2 : memref<30720xi32, #tpu.memory_space<hbm>>) target(%arg5 : memref<30720xi32, #tpu.memory_space<vmem>>) target_semaphore(%run_scoped3A : memref<!tpu.dma_semaphore, #tpu.memory_space<semaphore_mem>>)
      tpu.wait_dma2 semaphore(%run_scoped3A : memref<!tpu.dma_semaphore, #tpu.memory_space<semaphore_mem>>) src(%arg2 : memref<30720xi32, #tpu.memory_space<hbm>>) dst(%arg5 : memref<30720xi32, #tpu.memory_space<vmem>>)
      tpu.yield
    }) : () -> ()
    %mul3A_1 = arith.constant 128 : i32
    %mul3A_2 = arith.muli %add3A, %mul3A_1 : i32
    "tpu.region"() ({
      %run_scoped3A = tpu.sem_alloc : memref<!tpu.dma_semaphore, #tpu.memory_space<semaphore_mem>>
      %dma_start3A = arith.constant 0 : i32
      %dma_start3A_196 = tpu.memref_slice %arg3[%dma_start3A, %mul3A_2] : memref<200x4096xi32, #tpu.memory_space<hbm>> -> memref<200x128xi32, #tpu.memory_space<hbm>>
      %dma_start3A_197 = arith.constant 0 : i32
      %dma_start3A_198 = tpu.memref_slice %arg3[%dma_start3A_197, %mul3A_2] : memref<200x4096xi32, #tpu.memory_space<hbm>> -> memref<200x128xi32, #tpu.memory_space<hbm>>
      tpu.enqueue_dma source(%dma_start3A_198 : memref<200x128xi32, #tpu.memory_space<hbm>>) target(%arg6 : memref<200x128xi32, #tpu.memory_space<vmem>>) target_semaphore(%run_scoped3A : memref<!tpu.dma_semaphore, #tpu.memory_space<semaphore_mem>>)
      %dma_wait3A = arith.constant 0 : i32
      %dma_wait3A_199 = tpu.memref_slice %arg3[%dma_wait3A, %mul3A_2] : memref<200x4096xi32, #tpu.memory_space<hbm>> -> memref<200x128xi32, #tpu.memory_space<hbm>>
      %dma_wait3A_200 = arith.constant 0 : i32
      %dma_wait3A_201 = tpu.memref_slice %arg3[%dma_wait3A_200, %mul3A_2] : memref<200x4096xi32, #tpu.memory_space<hbm>> -> memref<200x128xi32, #tpu.memory_space<hbm>>
      tpu.wait_dma2 semaphore(%run_scoped3A : memref<!tpu.dma_semaphore, #tpu.memory_space<semaphore_mem>>) src(%dma_wait3A_201 : memref<200x128xi32, #tpu.memory_space<hbm>>) dst(%arg6 : memref<200x128xi32, #tpu.memory_space<vmem>>)
      tpu.yield
    }) : () -> ()
    %broadcast_in_dim3A = arith.constant -65536 : i32
    %broadcast_in_dim3A_3 = vector.broadcast %broadcast_in_dim3A : i32 to vector<16xi32>
    %broadcast_in_dim3A_4 = arith.constant 0.000000e+00 : f32
    %broadcast_in_dim3A_5 = vector.broadcast %broadcast_in_dim3A_4 : f32 to vector<16xf32>
    %parallel_loop3A = arith.constant 0 : i32
    %parallel_loop3A_6 = arith.constant 200 : i32
    %parallel_loop3A_7 = arith.constant 4 : i32
    %parallel_loop3A_8:8 = scf.for %parallel_loop3A_196 = %parallel_loop3A to %parallel_loop3A_6 step %parallel_loop3A_7 iter_args(%parallel_loop3A_197 = %broadcast_in_dim3A_5, %parallel_loop3A_198 = %broadcast_in_dim3A_5, %parallel_loop3A_199 = %broadcast_in_dim3A_5, %parallel_loop3A_200 = %broadcast_in_dim3A_5, %parallel_loop3A_201 = %broadcast_in_dim3A_5, %parallel_loop3A_202 = %broadcast_in_dim3A_5, %parallel_loop3A_203 = %broadcast_in_dim3A_5, %parallel_loop3A_204 = %broadcast_in_dim3A_5) -> (vector<16xf32>, vector<16xf32>, vector<16xf32>, vector<16xf32>, vector<16xf32>, vector<16xf32>, vector<16xf32>, vector<16xf32>)  : i32 {
      %parallel_loop3A_205 = arith.index_cast %parallel_loop3A_196 : i32 to index
      %parallel_loop3A_206 = arith.constant 0 : index
      %parallel_loop3A_207 = tpu.vector_load %arg6[%parallel_loop3A_205, %parallel_loop3A_206] {strides = array<i32>} : memref<200x128xi32, #tpu.memory_space<vmem>>, vector<16xi32>,
      %parallel_loop3A_208 = tpu.vector_load_idx %arg5[%parallel_loop3A_207] : memref<30720xi32, #tpu.memory_space<vmem>>[vector<16xi32>], vector<16xi32>,
      %parallel_loop3A_209 = arith.constant 1 : i32
      %parallel_loop3A_210 = arith.addi %parallel_loop3A_196, %parallel_loop3A_209 : i32
      %parallel_loop3A_211 = arith.index_cast %parallel_loop3A_210 : i32 to index
      %parallel_loop3A_212 = arith.constant 0 : index
      %parallel_loop3A_213 = tpu.vector_load %arg6[%parallel_loop3A_211, %parallel_loop3A_212] {strides = array<i32>} : memref<200x128xi32, #tpu.memory_space<vmem>>, vector<16xi32>,
      %parallel_loop3A_214 = tpu.vector_load_idx %arg5[%parallel_loop3A_213] : memref<30720xi32, #tpu.memory_space<vmem>>[vector<16xi32>], vector<16xi32>,
      %parallel_loop3A_215 = arith.constant 2 : i32
      %parallel_loop3A_216 = arith.addi %parallel_loop3A_196, %parallel_loop3A_215 : i32
      %parallel_loop3A_217 = arith.index_cast %parallel_loop3A_216 : i32 to index
      %parallel_loop3A_218 = arith.constant 0 : index
      %parallel_loop3A_219 = tpu.vector_load %arg6[%parallel_loop3A_217, %parallel_loop3A_218] {strides = array<i32>} : memref<200x128xi32, #tpu.memory_space<vmem>>, vector<16xi32>,
      %parallel_loop3A_220 = tpu.vector_load_idx %arg5[%parallel_loop3A_219] : memref<30720xi32, #tpu.memory_space<vmem>>[vector<16xi32>], vector<16xi32>,
      %parallel_loop3A_221 = arith.constant 3 : i32
      %parallel_loop3A_222 = arith.addi %parallel_loop3A_196, %parallel_loop3A_221 : i32
      %parallel_loop3A_223 = arith.index_cast %parallel_loop3A_222 : i32 to index
      %parallel_loop3A_224 = arith.constant 0 : index
      %parallel_loop3A_225 = tpu.vector_load %arg6[%parallel_loop3A_223, %parallel_loop3A_224] {strides = array<i32>} : memref<200x128xi32, #tpu.memory_space<vmem>>, vector<16xi32>,
      %parallel_loop3A_226 = tpu.vector_load_idx %arg5[%parallel_loop3A_225] : memref<30720xi32, #tpu.memory_space<vmem>>[vector<16xi32>], vector<16xi32>,
      %parallel_loop3A_227 = arith.constant 16 : i32
      %parallel_loop3A_228 = vector.broadcast %parallel_loop3A_227 : i32 to vector<16xi32>
      %parallel_loop3A_229 = arith.shli %parallel_loop3A_208, %parallel_loop3A_228 : vector<16xi32>
      %parallel_loop3A_230 = vector.bitcast %parallel_loop3A_229 : vector<16xi32> to vector<16xf32>
      %parallel_loop3A_231 = arith.addf %parallel_loop3A_197, %parallel_loop3A_230 : vector<16xf32>
      %parallel_loop3A_232 = arith.andi %parallel_loop3A_208, %broadcast_in_dim3A_3 : vector<16xi32>
      %parallel_loop3A_233 = vector.bitcast %parallel_loop3A_232 : vector<16xi32> to vector<16xf32>
      %parallel_loop3A_234 = arith.addf %parallel_loop3A_198, %parallel_loop3A_233 : vector<16xf32>
      %parallel_loop3A_235 = arith.constant 16 : i32
      %parallel_loop3A_236 = vector.broadcast %parallel_loop3A_235 : i32 to vector<16xi32>
      %parallel_loop3A_237 = arith.shli %parallel_loop3A_214, %parallel_loop3A_236 : vector<16xi32>
      %parallel_loop3A_238 = vector.bitcast %parallel_loop3A_237 : vector<16xi32> to vector<16xf32>
      %parallel_loop3A_239 = arith.addf %parallel_loop3A_199, %parallel_loop3A_238 : vector<16xf32>
      %parallel_loop3A_240 = arith.andi %parallel_loop3A_214, %broadcast_in_dim3A_3 : vector<16xi32>
      %parallel_loop3A_241 = vector.bitcast %parallel_loop3A_240 : vector<16xi32> to vector<16xf32>
      %parallel_loop3A_242 = arith.addf %parallel_loop3A_200, %parallel_loop3A_241 : vector<16xf32>
      %parallel_loop3A_243 = arith.constant 16 : i32
      %parallel_loop3A_244 = vector.broadcast %parallel_loop3A_243 : i32 to vector<16xi32>
      %parallel_loop3A_245 = arith.shli %parallel_loop3A_220, %parallel_loop3A_244 : vector<16xi32>
      %parallel_loop3A_246 = vector.bitcast %parallel_loop3A_245 : vector<16xi32> to vector<16xf32>
      %parallel_loop3A_247 = arith.addf %parallel_loop3A_201, %parallel_loop3A_246 : vector<16xf32>
      %parallel_loop3A_248 = arith.andi %parallel_loop3A_220, %broadcast_in_dim3A_3 : vector<16xi32>
      %parallel_loop3A_249 = vector.bitcast %parallel_loop3A_248 : vector<16xi32> to vector<16xf32>
      %parallel_loop3A_250 = arith.addf %parallel_loop3A_202, %parallel_loop3A_249 : vector<16xf32>
      %parallel_loop3A_251 = arith.constant 16 : i32
      %parallel_loop3A_252 = vector.broadcast %parallel_loop3A_251 : i32 to vector<16xi32>
      %parallel_loop3A_253 = arith.shli %parallel_loop3A_226, %parallel_loop3A_252 : vector<16xi32>
      %parallel_loop3A_254 = vector.bitcast %parallel_loop3A_253 : vector<16xi32> to vector<16xf32>
      %parallel_loop3A_255 = arith.addf %parallel_loop3A_203, %parallel_loop3A_254 : vector<16xf32>
      %parallel_loop3A_256 = arith.andi %parallel_loop3A_226, %broadcast_in_dim3A_3 : vector<16xi32>
      %parallel_loop3A_257 = vector.bitcast %parallel_loop3A_256 : vector<16xi32> to vector<16xf32>
      %parallel_loop3A_258 = arith.addf %parallel_loop3A_204, %parallel_loop3A_257 : vector<16xf32>
      scf.yield %parallel_loop3A_231, %parallel_loop3A_234, %parallel_loop3A_239, %parallel_loop3A_242, %parallel_loop3A_247, %parallel_loop3A_250, %parallel_loop3A_255, %parallel_loop3A_258 : vector<16xf32>, vector<16xf32>, vector<16xf32>, vector<16xf32>, vector<16xf32>, vector<16xf32>, vector<16xf32>, vector<16xf32>
    } {sc.loop_unroll_factor = 2 : i64, sc.parallel_access}
    %add3A_9 = arith.addf %parallel_loop3A_8#0, %parallel_loop3A_8#2 : vector<16xf32>
    %add3A_10 = arith.addf %parallel_loop3A_8#4, %parallel_loop3A_8#6 : vector<16xf32>
    %add3A_11 = arith.addf %add3A_9, %add3A_10 : vector<16xf32>
    %mul3A_12 = arith.constant 5.000000e-03 : f32
    %mul3A_13 = vector.broadcast %mul3A_12 : f32 to vector<16xf32>
    %mul3A_14 = arith.mulf %add3A_11, %mul3A_13 : vector<16xf32>
    %swap3A = arith.constant 0 : i32
    %swap3A_15 = arith.index_cast %swap3A : i32 to index
    %swap3A_16 = arith.constant 0 : index
    %swap3A_17 = tpu.vector_load %arg7[%swap3A_15, %swap3A_16] {strides = array<i32>} : memref<2x128xf32, #tpu.memory_space<vmem>>, vector<16xf32>,
    tpu.vector_store %arg7[%swap3A_15, %swap3A_16], %mul3A_14 {strides = array<i32>} : memref<2x128xf32, #tpu.memory_space<vmem>>, vector<16xf32>,
    %add3A_18 = arith.addf %parallel_loop3A_8#1, %parallel_loop3A_8#3 : vector<16xf32>
    %add3A_19 = arith.addf %parallel_loop3A_8#5, %parallel_loop3A_8#7 : vector<16xf32>
    %add3A_20 = arith.addf %add3A_18, %add3A_19 : vector<16xf32>
    %mul3A_21 = arith.constant 5.000000e-03 : f32
    %mul3A_22 = vector.broadcast %mul3A_21 : f32 to vector<16xf32>
    %mul3A_23 = arith.mulf %add3A_20, %mul3A_22 : vector<16xf32>
    %swap3A_24 = arith.constant 1 : i32
    %swap3A_25 = arith.index_cast %swap3A_24 : i32 to index
    %swap3A_26 = arith.constant 0 : index
    %swap3A_27 = tpu.vector_load %arg7[%swap3A_25, %swap3A_26] {strides = array<i32>} : memref<2x128xf32, #tpu.memory_space<vmem>>, vector<16xf32>,
    tpu.vector_store %arg7[%swap3A_25, %swap3A_26], %mul3A_23 {strides = array<i32>} : memref<2x128xf32, #tpu.memory_space<vmem>>, vector<16xf32>,
    %parallel_loop3A_28 = arith.constant 0 : i32
    %parallel_loop3A_29 = arith.constant 200 : i32
    %parallel_loop3A_30 = arith.constant 4 : i32
    %parallel_loop3A_31:8 = scf.for %parallel_loop3A_196 = %parallel_loop3A_28 to %parallel_loop3A_29 step %parallel_loop3A_30 iter_args(%parallel_loop3A_197 = %broadcast_in_dim3A_5, %parallel_loop3A_198 = %broadcast_in_dim3A_5, %parallel_loop3A_199 = %broadcast_in_dim3A_5, %parallel_loop3A_200 = %broadcast_in_dim3A_5, %parallel_loop3A_201 = %broadcast_in_dim3A_5, %parallel_loop3A_202 = %broadcast_in_dim3A_5, %parallel_loop3A_203 = %broadcast_in_dim3A_5, %parallel_loop3A_204 = %broadcast_in_dim3A_5) -> (vector<16xf32>, vector<16xf32>, vector<16xf32>, vector<16xf32>, vector<16xf32>, vector<16xf32>, vector<16xf32>, vector<16xf32>)  : i32 {
      %parallel_loop3A_205 = arith.index_cast %parallel_loop3A_196 : i32 to index
      %parallel_loop3A_206 = arith.constant 16 : index
      %parallel_loop3A_207 = tpu.vector_load %arg6[%parallel_loop3A_205, %parallel_loop3A_206] {strides = array<i32>} : memref<200x128xi32, #tpu.memory_space<vmem>>, vector<16xi32>,
      %parallel_loop3A_208 = tpu.vector_load_idx %arg5[%parallel_loop3A_207] : memref<30720xi32, #tpu.memory_space<vmem>>[vector<16xi32>], vector<16xi32>,
      %parallel_loop3A_209 = arith.constant 1 : i32
      %parallel_loop3A_210 = arith.addi %parallel_loop3A_196, %parallel_loop3A_209 : i32
      %parallel_loop3A_211 = arith.index_cast %parallel_loop3A_210 : i32 to index
      %parallel_loop3A_212 = arith.constant 16 : index
      %parallel_loop3A_213 = tpu.vector_load %arg6[%parallel_loop3A_211, %parallel_loop3A_212] {strides = array<i32>} : memref<200x128xi32, #tpu.memory_space<vmem>>, vector<16xi32>,
      %parallel_loop3A_214 = tpu.vector_load_idx %arg5[%parallel_loop3A_213] : memref<30720xi32, #tpu.memory_space<vmem>>[vector<16xi32>], vector<16xi32>,
      %parallel_loop3A_215 = arith.constant 2 : i32
      %parallel_loop3A_216 = arith.addi %parallel_loop3A_196, %parallel_loop3A_215 : i32
      %parallel_loop3A_217 = arith.index_cast %parallel_loop3A_216 : i32 to index
      %parallel_loop3A_218 = arith.constant 16 : index
      %parallel_loop3A_219 = tpu.vector_load %arg6[%parallel_loop3A_217, %parallel_loop3A_218] {strides = array<i32>} : memref<200x128xi32, #tpu.memory_space<vmem>>, vector<16xi32>,
      %parallel_loop3A_220 = tpu.vector_load_idx %arg5[%parallel_loop3A_219] : memref<30720xi32, #tpu.memory_space<vmem>>[vector<16xi32>], vector<16xi32>,
      %parallel_loop3A_221 = arith.constant 3 : i32
      %parallel_loop3A_222 = arith.addi %parallel_loop3A_196, %parallel_loop3A_221 : i32
      %parallel_loop3A_223 = arith.index_cast %parallel_loop3A_222 : i32 to index
      %parallel_loop3A_224 = arith.constant 16 : index
      %parallel_loop3A_225 = tpu.vector_load %arg6[%parallel_loop3A_223, %parallel_loop3A_224] {strides = array<i32>} : memref<200x128xi32, #tpu.memory_space<vmem>>, vector<16xi32>,
      %parallel_loop3A_226 = tpu.vector_load_idx %arg5[%parallel_loop3A_225] : memref<30720xi32, #tpu.memory_space<vmem>>[vector<16xi32>], vector<16xi32>,
      %parallel_loop3A_227 = arith.constant 16 : i32
      %parallel_loop3A_228 = vector.broadcast %parallel_loop3A_227 : i32 to vector<16xi32>
      %parallel_loop3A_229 = arith.shli %parallel_loop3A_208, %parallel_loop3A_228 : vector<16xi32>
      %parallel_loop3A_230 = vector.bitcast %parallel_loop3A_229 : vector<16xi32> to vector<16xf32>
      %parallel_loop3A_231 = arith.addf %parallel_loop3A_197, %parallel_loop3A_230 : vector<16xf32>
      %parallel_loop3A_232 = arith.andi %parallel_loop3A_208, %broadcast_in_dim3A_3 : vector<16xi32>
      %parallel_loop3A_233 = vector.bitcast %parallel_loop3A_232 : vector<16xi32> to vector<16xf32>
      %parallel_loop3A_234 = arith.addf %parallel_loop3A_198, %parallel_loop3A_233 : vector<16xf32>
      %parallel_loop3A_235 = arith.constant 16 : i32
      %parallel_loop3A_236 = vector.broadcast %parallel_loop3A_235 : i32 to vector<16xi32>
      %parallel_loop3A_237 = arith.shli %parallel_loop3A_214, %parallel_loop3A_236 : vector<16xi32>
      %parallel_loop3A_238 = vector.bitcast %parallel_loop3A_237 : vector<16xi32> to vector<16xf32>
      %parallel_loop3A_239 = arith.addf %parallel_loop3A_199, %parallel_loop3A_238 : vector<16xf32>
      %parallel_loop3A_240 = arith.andi %parallel_loop3A_214, %broadcast_in_dim3A_3 : vector<16xi32>
      %parallel_loop3A_241 = vector.bitcast %parallel_loop3A_240 : vector<16xi32> to vector<16xf32>
      %parallel_loop3A_242 = arith.addf %parallel_loop3A_200, %parallel_loop3A_241 : vector<16xf32>
      %parallel_loop3A_243 = arith.constant 16 : i32
      %parallel_loop3A_244 = vector.broadcast %parallel_loop3A_243 : i32 to vector<16xi32>
      %parallel_loop3A_245 = arith.shli %parallel_loop3A_220, %parallel_loop3A_244 : vector<16xi32>
      %parallel_loop3A_246 = vector.bitcast %parallel_loop3A_245 : vector<16xi32> to vector<16xf32>
      %parallel_loop3A_247 = arith.addf %parallel_loop3A_201, %parallel_loop3A_246 : vector<16xf32>
      %parallel_loop3A_248 = arith.andi %parallel_loop3A_220, %broadcast_in_dim3A_3 : vector<16xi32>
      %parallel_loop3A_249 = vector.bitcast %parallel_loop3A_248 : vector<16xi32> to vector<16xf32>
      %parallel_loop3A_250 = arith.addf %parallel_loop3A_202, %parallel_loop3A_249 : vector<16xf32>
      %parallel_loop3A_251 = arith.constant 16 : i32
      %parallel_loop3A_252 = vector.broadcast %parallel_loop3A_251 : i32 to vector<16xi32>
      %parallel_loop3A_253 = arith.shli %parallel_loop3A_226, %parallel_loop3A_252 : vector<16xi32>
      %parallel_loop3A_254 = vector.bitcast %parallel_loop3A_253 : vector<16xi32> to vector<16xf32>
      %parallel_loop3A_255 = arith.addf %parallel_loop3A_203, %parallel_loop3A_254 : vector<16xf32>
      %parallel_loop3A_256 = arith.andi %parallel_loop3A_226, %broadcast_in_dim3A_3 : vector<16xi32>
      %parallel_loop3A_257 = vector.bitcast %parallel_loop3A_256 : vector<16xi32> to vector<16xf32>
      %parallel_loop3A_258 = arith.addf %parallel_loop3A_204, %parallel_loop3A_257 : vector<16xf32>
      scf.yield %parallel_loop3A_231, %parallel_loop3A_234, %parallel_loop3A_239, %parallel_loop3A_242, %parallel_loop3A_247, %parallel_loop3A_250, %parallel_loop3A_255, %parallel_loop3A_258 : vector<16xf32>, vector<16xf32>, vector<16xf32>, vector<16xf32>, vector<16xf32>, vector<16xf32>, vector<16xf32>, vector<16xf32>
    } {sc.loop_unroll_factor = 2 : i64, sc.parallel_access}
    %add3A_32 = arith.addf %parallel_loop3A_31#0, %parallel_loop3A_31#2 : vector<16xf32>
    %add3A_33 = arith.addf %parallel_loop3A_31#4, %parallel_loop3A_31#6 : vector<16xf32>
    %add3A_34 = arith.addf %add3A_32, %add3A_33 : vector<16xf32>
    %mul3A_35 = arith.constant 5.000000e-03 : f32
    %mul3A_36 = vector.broadcast %mul3A_35 : f32 to vector<16xf32>
    %mul3A_37 = arith.mulf %add3A_34, %mul3A_36 : vector<16xf32>
    %swap3A_38 = arith.constant 0 : i32
    %swap3A_39 = arith.index_cast %swap3A_38 : i32 to index
    %swap3A_40 = arith.constant 16 : index
    %swap3A_41 = tpu.vector_load %arg7[%swap3A_39, %swap3A_40] {strides = array<i32>} : memref<2x128xf32, #tpu.memory_space<vmem>>, vector<16xf32>,
    tpu.vector_store %arg7[%swap3A_39, %swap3A_40], %mul3A_37 {strides = array<i32>} : memref<2x128xf32, #tpu.memory_space<vmem>>, vector<16xf32>,
    %add3A_42 = arith.addf %parallel_loop3A_31#1, %parallel_loop3A_31#3 : vector<16xf32>
    %add3A_43 = arith.addf %parallel_loop3A_31#5, %parallel_loop3A_31#7 : vector<16xf32>
    %add3A_44 = arith.addf %add3A_42, %add3A_43 : vector<16xf32>
    %mul3A_45 = arith.constant 5.000000e-03 : f32
    %mul3A_46 = vector.broadcast %mul3A_45 : f32 to vector<16xf32>
    %mul3A_47 = arith.mulf %add3A_44, %mul3A_46 : vector<16xf32>
    %swap3A_48 = arith.constant 1 : i32
    %swap3A_49 = arith.index_cast %swap3A_48 : i32 to index
    %swap3A_50 = arith.constant 16 : index
    %swap3A_51 = tpu.vector_load %arg7[%swap3A_49, %swap3A_50] {strides = array<i32>} : memref<2x128xf32, #tpu.memory_space<vmem>>, vector<16xf32>,
    tpu.vector_store %arg7[%swap3A_49, %swap3A_50], %mul3A_47 {strides = array<i32>} : memref<2x128xf32, #tpu.memory_space<vmem>>, vector<16xf32>,
    %parallel_loop3A_52 = arith.constant 0 : i32
    %parallel_loop3A_53 = arith.constant 200 : i32
    %parallel_loop3A_54 = arith.constant 4 : i32
    %parallel_loop3A_55:8 = scf.for %parallel_loop3A_196 = %parallel_loop3A_52 to %parallel_loop3A_53 step %parallel_loop3A_54 iter_args(%parallel_loop3A_197 = %broadcast_in_dim3A_5, %parallel_loop3A_198 = %broadcast_in_dim3A_5, %parallel_loop3A_199 = %broadcast_in_dim3A_5, %parallel_loop3A_200 = %broadcast_in_dim3A_5, %parallel_loop3A_201 = %broadcast_in_dim3A_5, %parallel_loop3A_202 = %broadcast_in_dim3A_5, %parallel_loop3A_203 = %broadcast_in_dim3A_5, %parallel_loop3A_204 = %broadcast_in_dim3A_5) -> (vector<16xf32>, vector<16xf32>, vector<16xf32>, vector<16xf32>, vector<16xf32>, vector<16xf32>, vector<16xf32>, vector<16xf32>)  : i32 {
      %parallel_loop3A_205 = arith.index_cast %parallel_loop3A_196 : i32 to index
      %parallel_loop3A_206 = arith.constant 32 : index
      %parallel_loop3A_207 = tpu.vector_load %arg6[%parallel_loop3A_205, %parallel_loop3A_206] {strides = array<i32>} : memref<200x128xi32, #tpu.memory_space<vmem>>, vector<16xi32>,
      %parallel_loop3A_208 = tpu.vector_load_idx %arg5[%parallel_loop3A_207] : memref<30720xi32, #tpu.memory_space<vmem>>[vector<16xi32>], vector<16xi32>,
      %parallel_loop3A_209 = arith.constant 1 : i32
      %parallel_loop3A_210 = arith.addi %parallel_loop3A_196, %parallel_loop3A_209 : i32
      %parallel_loop3A_211 = arith.index_cast %parallel_loop3A_210 : i32 to index
      %parallel_loop3A_212 = arith.constant 32 : index
      %parallel_loop3A_213 = tpu.vector_load %arg6[%parallel_loop3A_211, %parallel_loop3A_212] {strides = array<i32>} : memref<200x128xi32, #tpu.memory_space<vmem>>, vector<16xi32>,
      %parallel_loop3A_214 = tpu.vector_load_idx %arg5[%parallel_loop3A_213] : memref<30720xi32, #tpu.memory_space<vmem>>[vector<16xi32>], vector<16xi32>,
      %parallel_loop3A_215 = arith.constant 2 : i32
      %parallel_loop3A_216 = arith.addi %parallel_loop3A_196, %parallel_loop3A_215 : i32
      %parallel_loop3A_217 = arith.index_cast %parallel_loop3A_216 : i32 to index
      %parallel_loop3A_218 = arith.constant 32 : index
      %parallel_loop3A_219 = tpu.vector_load %arg6[%parallel_loop3A_217, %parallel_loop3A_218] {strides = array<i32>} : memref<200x128xi32, #tpu.memory_space<vmem>>, vector<16xi32>,
      %parallel_loop3A_220 = tpu.vector_load_idx %arg5[%parallel_loop3A_219] : memref<30720xi32, #tpu.memory_space<vmem>>[vector<16xi32>], vector<16xi32>,
      %parallel_loop3A_221 = arith.constant 3 : i32
      %parallel_loop3A_222 = arith.addi %parallel_loop3A_196, %parallel_loop3A_221 : i32
      %parallel_loop3A_223 = arith.index_cast %parallel_loop3A_222 : i32 to index
      %parallel_loop3A_224 = arith.constant 32 : index
      %parallel_loop3A_225 = tpu.vector_load %arg6[%parallel_loop3A_223, %parallel_loop3A_224] {strides = array<i32>} : memref<200x128xi32, #tpu.memory_space<vmem>>, vector<16xi32>,
      %parallel_loop3A_226 = tpu.vector_load_idx %arg5[%parallel_loop3A_225] : memref<30720xi32, #tpu.memory_space<vmem>>[vector<16xi32>], vector<16xi32>,
      %parallel_loop3A_227 = arith.constant 16 : i32
      %parallel_loop3A_228 = vector.broadcast %parallel_loop3A_227 : i32 to vector<16xi32>
      %parallel_loop3A_229 = arith.shli %parallel_loop3A_208, %parallel_loop3A_228 : vector<16xi32>
      %parallel_loop3A_230 = vector.bitcast %parallel_loop3A_229 : vector<16xi32> to vector<16xf32>
      %parallel_loop3A_231 = arith.addf %parallel_loop3A_197, %parallel_loop3A_230 : vector<16xf32>
      %parallel_loop3A_232 = arith.andi %parallel_loop3A_208, %broadcast_in_dim3A_3 : vector<16xi32>
      %parallel_loop3A_233 = vector.bitcast %parallel_loop3A_232 : vector<16xi32> to vector<16xf32>
      %parallel_loop3A_234 = arith.addf %parallel_loop3A_198, %parallel_loop3A_233 : vector<16xf32>
      %parallel_loop3A_235 = arith.constant 16 : i32
      %parallel_loop3A_236 = vector.broadcast %parallel_loop3A_235 : i32 to vector<16xi32>
      %parallel_loop3A_237 = arith.shli %parallel_loop3A_214, %parallel_loop3A_236 : vector<16xi32>
      %parallel_loop3A_238 = vector.bitcast %parallel_loop3A_237 : vector<16xi32> to vector<16xf32>
      %parallel_loop3A_239 = arith.addf %parallel_loop3A_199, %parallel_loop3A_238 : vector<16xf32>
      %parallel_loop3A_240 = arith.andi %parallel_loop3A_214, %broadcast_in_dim3A_3 : vector<16xi32>
      %parallel_loop3A_241 = vector.bitcast %parallel_loop3A_240 : vector<16xi32> to vector<16xf32>
      %parallel_loop3A_242 = arith.addf %parallel_loop3A_200, %parallel_loop3A_241 : vector<16xf32>
      %parallel_loop3A_243 = arith.constant 16 : i32
      %parallel_loop3A_244 = vector.broadcast %parallel_loop3A_243 : i32 to vector<16xi32>
      %parallel_loop3A_245 = arith.shli %parallel_loop3A_220, %parallel_loop3A_244 : vector<16xi32>
      %parallel_loop3A_246 = vector.bitcast %parallel_loop3A_245 : vector<16xi32> to vector<16xf32>
      %parallel_loop3A_247 = arith.addf %parallel_loop3A_201, %parallel_loop3A_246 : vector<16xf32>
      %parallel_loop3A_248 = arith.andi %parallel_loop3A_220, %broadcast_in_dim3A_3 : vector<16xi32>
      %parallel_loop3A_249 = vector.bitcast %parallel_loop3A_248 : vector<16xi32> to vector<16xf32>
      %parallel_loop3A_250 = arith.addf %parallel_loop3A_202, %parallel_loop3A_249 : vector<16xf32>
      %parallel_loop3A_251 = arith.constant 16 : i32
      %parallel_loop3A_252 = vector.broadcast %parallel_loop3A_251 : i32 to vector<16xi32>
      %parallel_loop3A_253 = arith.shli %parallel_loop3A_226, %parallel_loop3A_252 : vector<16xi32>
      %parallel_loop3A_254 = vector.bitcast %parallel_loop3A_253 : vector<16xi32> to vector<16xf32>
      %parallel_loop3A_255 = arith.addf %parallel_loop3A_203, %parallel_loop3A_254 : vector<16xf32>
      %parallel_loop3A_256 = arith.andi %parallel_loop3A_226, %broadcast_in_dim3A_3 : vector<16xi32>
      %parallel_loop3A_257 = vector.bitcast %parallel_loop3A_256 : vector<16xi32> to vector<16xf32>
      %parallel_loop3A_258 = arith.addf %parallel_loop3A_204, %parallel_loop3A_257 : vector<16xf32>
      scf.yield %parallel_loop3A_231, %parallel_loop3A_234, %parallel_loop3A_239, %parallel_loop3A_242, %parallel_loop3A_247, %parallel_loop3A_250, %parallel_loop3A_255, %parallel_loop3A_258 : vector<16xf32>, vector<16xf32>, vector<16xf32>, vector<16xf32>, vector<16xf32>, vector<16xf32>, vector<16xf32>, vector<16xf32>
    } {sc.loop_unroll_factor = 2 : i64, sc.parallel_access}
    %add3A_56 = arith.addf %parallel_loop3A_55#0, %parallel_loop3A_55#2 : vector<16xf32>
    %add3A_57 = arith.addf %parallel_loop3A_55#4, %parallel_loop3A_55#6 : vector<16xf32>
    %add3A_58 = arith.addf %add3A_56, %add3A_57 : vector<16xf32>
    %mul3A_59 = arith.constant 5.000000e-03 : f32
    %mul3A_60 = vector.broadcast %mul3A_59 : f32 to vector<16xf32>
    %mul3A_61 = arith.mulf %add3A_58, %mul3A_60 : vector<16xf32>
    %swap3A_62 = arith.constant 0 : i32
    %swap3A_63 = arith.index_cast %swap3A_62 : i32 to index
    %swap3A_64 = arith.constant 32 : index
    %swap3A_65 = tpu.vector_load %arg7[%swap3A_63, %swap3A_64] {strides = array<i32>} : memref<2x128xf32, #tpu.memory_space<vmem>>, vector<16xf32>,
    tpu.vector_store %arg7[%swap3A_63, %swap3A_64], %mul3A_61 {strides = array<i32>} : memref<2x128xf32, #tpu.memory_space<vmem>>, vector<16xf32>,
    %add3A_66 = arith.addf %parallel_loop3A_55#1, %parallel_loop3A_55#3 : vector<16xf32>
    %add3A_67 = arith.addf %parallel_loop3A_55#5, %parallel_loop3A_55#7 : vector<16xf32>
    %add3A_68 = arith.addf %add3A_66, %add3A_67 : vector<16xf32>
    %mul3A_69 = arith.constant 5.000000e-03 : f32
    %mul3A_70 = vector.broadcast %mul3A_69 : f32 to vector<16xf32>
    %mul3A_71 = arith.mulf %add3A_68, %mul3A_70 : vector<16xf32>
    %swap3A_72 = arith.constant 1 : i32
    %swap3A_73 = arith.index_cast %swap3A_72 : i32 to index
    %swap3A_74 = arith.constant 32 : index
    %swap3A_75 = tpu.vector_load %arg7[%swap3A_73, %swap3A_74] {strides = array<i32>} : memref<2x128xf32, #tpu.memory_space<vmem>>, vector<16xf32>,
    tpu.vector_store %arg7[%swap3A_73, %swap3A_74], %mul3A_71 {strides = array<i32>} : memref<2x128xf32, #tpu.memory_space<vmem>>, vector<16xf32>,
    %parallel_loop3A_76 = arith.constant 0 : i32
    %parallel_loop3A_77 = arith.constant 200 : i32
    %parallel_loop3A_78 = arith.constant 4 : i32
    %parallel_loop3A_79:8 = scf.for %parallel_loop3A_196 = %parallel_loop3A_76 to %parallel_loop3A_77 step %parallel_loop3A_78 iter_args(%parallel_loop3A_197 = %broadcast_in_dim3A_5, %parallel_loop3A_198 = %broadcast_in_dim3A_5, %parallel_loop3A_199 = %broadcast_in_dim3A_5, %parallel_loop3A_200 = %broadcast_in_dim3A_5, %parallel_loop3A_201 = %broadcast_in_dim3A_5, %parallel_loop3A_202 = %broadcast_in_dim3A_5, %parallel_loop3A_203 = %broadcast_in_dim3A_5, %parallel_loop3A_204 = %broadcast_in_dim3A_5) -> (vector<16xf32>, vector<16xf32>, vector<16xf32>, vector<16xf32>, vector<16xf32>, vector<16xf32>, vector<16xf32>, vector<16xf32>)  : i32 {
      %parallel_loop3A_205 = arith.index_cast %parallel_loop3A_196 : i32 to index
      %parallel_loop3A_206 = arith.constant 48 : index
      %parallel_loop3A_207 = tpu.vector_load %arg6[%parallel_loop3A_205, %parallel_loop3A_206] {strides = array<i32>} : memref<200x128xi32, #tpu.memory_space<vmem>>, vector<16xi32>,
      %parallel_loop3A_208 = tpu.vector_load_idx %arg5[%parallel_loop3A_207] : memref<30720xi32, #tpu.memory_space<vmem>>[vector<16xi32>], vector<16xi32>,
      %parallel_loop3A_209 = arith.constant 1 : i32
      %parallel_loop3A_210 = arith.addi %parallel_loop3A_196, %parallel_loop3A_209 : i32
      %parallel_loop3A_211 = arith.index_cast %parallel_loop3A_210 : i32 to index
      %parallel_loop3A_212 = arith.constant 48 : index
      %parallel_loop3A_213 = tpu.vector_load %arg6[%parallel_loop3A_211, %parallel_loop3A_212] {strides = array<i32>} : memref<200x128xi32, #tpu.memory_space<vmem>>, vector<16xi32>,
      %parallel_loop3A_214 = tpu.vector_load_idx %arg5[%parallel_loop3A_213] : memref<30720xi32, #tpu.memory_space<vmem>>[vector<16xi32>], vector<16xi32>,
      %parallel_loop3A_215 = arith.constant 2 : i32
      %parallel_loop3A_216 = arith.addi %parallel_loop3A_196, %parallel_loop3A_215 : i32
      %parallel_loop3A_217 = arith.index_cast %parallel_loop3A_216 : i32 to index
      %parallel_loop3A_218 = arith.constant 48 : index
      %parallel_loop3A_219 = tpu.vector_load %arg6[%parallel_loop3A_217, %parallel_loop3A_218] {strides = array<i32>} : memref<200x128xi32, #tpu.memory_space<vmem>>, vector<16xi32>,
      %parallel_loop3A_220 = tpu.vector_load_idx %arg5[%parallel_loop3A_219] : memref<30720xi32, #tpu.memory_space<vmem>>[vector<16xi32>], vector<16xi32>,
      %parallel_loop3A_221 = arith.constant 3 : i32
      %parallel_loop3A_222 = arith.addi %parallel_loop3A_196, %parallel_loop3A_221 : i32
      %parallel_loop3A_223 = arith.index_cast %parallel_loop3A_222 : i32 to index
      %parallel_loop3A_224 = arith.constant 48 : index
      %parallel_loop3A_225 = tpu.vector_load %arg6[%parallel_loop3A_223, %parallel_loop3A_224] {strides = array<i32>} : memref<200x128xi32, #tpu.memory_space<vmem>>, vector<16xi32>,
      %parallel_loop3A_226 = tpu.vector_load_idx %arg5[%parallel_loop3A_225] : memref<30720xi32, #tpu.memory_space<vmem>>[vector<16xi32>], vector<16xi32>,
      %parallel_loop3A_227 = arith.constant 16 : i32
      %parallel_loop3A_228 = vector.broadcast %parallel_loop3A_227 : i32 to vector<16xi32>
      %parallel_loop3A_229 = arith.shli %parallel_loop3A_208, %parallel_loop3A_228 : vector<16xi32>
      %parallel_loop3A_230 = vector.bitcast %parallel_loop3A_229 : vector<16xi32> to vector<16xf32>
      %parallel_loop3A_231 = arith.addf %parallel_loop3A_197, %parallel_loop3A_230 : vector<16xf32>
      %parallel_loop3A_232 = arith.andi %parallel_loop3A_208, %broadcast_in_dim3A_3 : vector<16xi32>
      %parallel_loop3A_233 = vector.bitcast %parallel_loop3A_232 : vector<16xi32> to vector<16xf32>
      %parallel_loop3A_234 = arith.addf %parallel_loop3A_198, %parallel_loop3A_233 : vector<16xf32>
      %parallel_loop3A_235 = arith.constant 16 : i32
      %parallel_loop3A_236 = vector.broadcast %parallel_loop3A_235 : i32 to vector<16xi32>
      %parallel_loop3A_237 = arith.shli %parallel_loop3A_214, %parallel_loop3A_236 : vector<16xi32>
      %parallel_loop3A_238 = vector.bitcast %parallel_loop3A_237 : vector<16xi32> to vector<16xf32>
      %parallel_loop3A_239 = arith.addf %parallel_loop3A_199, %parallel_loop3A_238 : vector<16xf32>
      %parallel_loop3A_240 = arith.andi %parallel_loop3A_214, %broadcast_in_dim3A_3 : vector<16xi32>
      %parallel_loop3A_241 = vector.bitcast %parallel_loop3A_240 : vector<16xi32> to vector<16xf32>
      %parallel_loop3A_242 = arith.addf %parallel_loop3A_200, %parallel_loop3A_241 : vector<16xf32>
      %parallel_loop3A_243 = arith.constant 16 : i32
      %parallel_loop3A_244 = vector.broadcast %parallel_loop3A_243 : i32 to vector<16xi32>
      %parallel_loop3A_245 = arith.shli %parallel_loop3A_220, %parallel_loop3A_244 : vector<16xi32>
      %parallel_loop3A_246 = vector.bitcast %parallel_loop3A_245 : vector<16xi32> to vector<16xf32>
      %parallel_loop3A_247 = arith.addf %parallel_loop3A_201, %parallel_loop3A_246 : vector<16xf32>
      %parallel_loop3A_248 = arith.andi %parallel_loop3A_220, %broadcast_in_dim3A_3 : vector<16xi32>
      %parallel_loop3A_249 = vector.bitcast %parallel_loop3A_248 : vector<16xi32> to vector<16xf32>
      %parallel_loop3A_250 = arith.addf %parallel_loop3A_202, %parallel_loop3A_249 : vector<16xf32>
      %parallel_loop3A_251 = arith.constant 16 : i32
      %parallel_loop3A_252 = vector.broadcast %parallel_loop3A_251 : i32 to vector<16xi32>
      %parallel_loop3A_253 = arith.shli %parallel_loop3A_226, %parallel_loop3A_252 : vector<16xi32>
      %parallel_loop3A_254 = vector.bitcast %parallel_loop3A_253 : vector<16xi32> to vector<16xf32>
      %parallel_loop3A_255 = arith.addf %parallel_loop3A_203, %parallel_loop3A_254 : vector<16xf32>
      %parallel_loop3A_256 = arith.andi %parallel_loop3A_226, %broadcast_in_dim3A_3 : vector<16xi32>
      %parallel_loop3A_257 = vector.bitcast %parallel_loop3A_256 : vector<16xi32> to vector<16xf32>
      %parallel_loop3A_258 = arith.addf %parallel_loop3A_204, %parallel_loop3A_257 : vector<16xf32>
      scf.yield %parallel_loop3A_231, %parallel_loop3A_234, %parallel_loop3A_239, %parallel_loop3A_242, %parallel_loop3A_247, %parallel_loop3A_250, %parallel_loop3A_255, %parallel_loop3A_258 : vector<16xf32>, vector<16xf32>, vector<16xf32>, vector<16xf32>, vector<16xf32>, vector<16xf32>, vector<16xf32>, vector<16xf32>
    } {sc.loop_unroll_factor = 2 : i64, sc.parallel_access}
    %add3A_80 = arith.addf %parallel_loop3A_79#0, %parallel_loop3A_79#2 : vector<16xf32>
    %add3A_81 = arith.addf %parallel_loop3A_79#4, %parallel_loop3A_79#6 : vector<16xf32>
    %add3A_82 = arith.addf %add3A_80, %add3A_81 : vector<16xf32>
    %mul3A_83 = arith.constant 5.000000e-03 : f32
    %mul3A_84 = vector.broadcast %mul3A_83 : f32 to vector<16xf32>
    %mul3A_85 = arith.mulf %add3A_82, %mul3A_84 : vector<16xf32>
    %swap3A_86 = arith.constant 0 : i32
    %swap3A_87 = arith.index_cast %swap3A_86 : i32 to index
    %swap3A_88 = arith.constant 48 : index
    %swap3A_89 = tpu.vector_load %arg7[%swap3A_87, %swap3A_88] {strides = array<i32>} : memref<2x128xf32, #tpu.memory_space<vmem>>, vector<16xf32>,
    tpu.vector_store %arg7[%swap3A_87, %swap3A_88], %mul3A_85 {strides = array<i32>} : memref<2x128xf32, #tpu.memory_space<vmem>>, vector<16xf32>,
    %add3A_90 = arith.addf %parallel_loop3A_79#1, %parallel_loop3A_79#3 : vector<16xf32>
    %add3A_91 = arith.addf %parallel_loop3A_79#5, %parallel_loop3A_79#7 : vector<16xf32>
    %add3A_92 = arith.addf %add3A_90, %add3A_91 : vector<16xf32>
    %mul3A_93 = arith.constant 5.000000e-03 : f32
    %mul3A_94 = vector.broadcast %mul3A_93 : f32 to vector<16xf32>
    %mul3A_95 = arith.mulf %add3A_92, %mul3A_94 : vector<16xf32>
    %swap3A_96 = arith.constant 1 : i32
    %swap3A_97 = arith.index_cast %swap3A_96 : i32 to index
    %swap3A_98 = arith.constant 48 : index
    %swap3A_99 = tpu.vector_load %arg7[%swap3A_97, %swap3A_98] {strides = array<i32>} : memref<2x128xf32, #tpu.memory_space<vmem>>, vector<16xf32>,
    tpu.vector_store %arg7[%swap3A_97, %swap3A_98], %mul3A_95 {strides = array<i32>} : memref<2x128xf32, #tpu.memory_space<vmem>>, vector<16xf32>,
    %parallel_loop3A_100 = arith.constant 0 : i32
    %parallel_loop3A_101 = arith.constant 200 : i32
    %parallel_loop3A_102 = arith.constant 4 : i32
    %parallel_loop3A_103:8 = scf.for %parallel_loop3A_196 = %parallel_loop3A_100 to %parallel_loop3A_101 step %parallel_loop3A_102 iter_args(%parallel_loop3A_197 = %broadcast_in_dim3A_5, %parallel_loop3A_198 = %broadcast_in_dim3A_5, %parallel_loop3A_199 = %broadcast_in_dim3A_5, %parallel_loop3A_200 = %broadcast_in_dim3A_5, %parallel_loop3A_201 = %broadcast_in_dim3A_5, %parallel_loop3A_202 = %broadcast_in_dim3A_5, %parallel_loop3A_203 = %broadcast_in_dim3A_5, %parallel_loop3A_204 = %broadcast_in_dim3A_5) -> (vector<16xf32>, vector<16xf32>, vector<16xf32>, vector<16xf32>, vector<16xf32>, vector<16xf32>, vector<16xf32>, vector<16xf32>)  : i32 {
      %parallel_loop3A_205 = arith.index_cast %parallel_loop3A_196 : i32 to index
      %parallel_loop3A_206 = arith.constant 64 : index
      %parallel_loop3A_207 = tpu.vector_load %arg6[%parallel_loop3A_205, %parallel_loop3A_206] {strides = array<i32>} : memref<200x128xi32, #tpu.memory_space<vmem>>, vector<16xi32>,
      %parallel_loop3A_208 = tpu.vector_load_idx %arg5[%parallel_loop3A_207] : memref<30720xi32, #tpu.memory_space<vmem>>[vector<16xi32>], vector<16xi32>,
      %parallel_loop3A_209 = arith.constant 1 : i32
      %parallel_loop3A_210 = arith.addi %parallel_loop3A_196, %parallel_loop3A_209 : i32
      %parallel_loop3A_211 = arith.index_cast %parallel_loop3A_210 : i32 to index
      %parallel_loop3A_212 = arith.constant 64 : index
      %parallel_loop3A_213 = tpu.vector_load %arg6[%parallel_loop3A_211, %parallel_loop3A_212] {strides = array<i32>} : memref<200x128xi32, #tpu.memory_space<vmem>>, vector<16xi32>,
      %parallel_loop3A_214 = tpu.vector_load_idx %arg5[%parallel_loop3A_213] : memref<30720xi32, #tpu.memory_space<vmem>>[vector<16xi32>], vector<16xi32>,
      %parallel_loop3A_215 = arith.constant 2 : i32
      %parallel_loop3A_216 = arith.addi %parallel_loop3A_196, %parallel_loop3A_215 : i32
      %parallel_loop3A_217 = arith.index_cast %parallel_loop3A_216 : i32 to index
      %parallel_loop3A_218 = arith.constant 64 : index
      %parallel_loop3A_219 = tpu.vector_load %arg6[%parallel_loop3A_217, %parallel_loop3A_218] {strides = array<i32>} : memref<200x128xi32, #tpu.memory_space<vmem>>, vector<16xi32>,
      %parallel_loop3A_220 = tpu.vector_load_idx %arg5[%parallel_loop3A_219] : memref<30720xi32, #tpu.memory_space<vmem>>[vector<16xi32>], vector<16xi32>,
      %parallel_loop3A_221 = arith.constant 3 : i32
      %parallel_loop3A_222 = arith.addi %parallel_loop3A_196, %parallel_loop3A_221 : i32
      %parallel_loop3A_223 = arith.index_cast %parallel_loop3A_222 : i32 to index
      %parallel_loop3A_224 = arith.constant 64 : index
      %parallel_loop3A_225 = tpu.vector_load %arg6[%parallel_loop3A_223, %parallel_loop3A_224] {strides = array<i32>} : memref<200x128xi32, #tpu.memory_space<vmem>>, vector<16xi32>,
      %parallel_loop3A_226 = tpu.vector_load_idx %arg5[%parallel_loop3A_225] : memref<30720xi32, #tpu.memory_space<vmem>>[vector<16xi32>], vector<16xi32>,
      %parallel_loop3A_227 = arith.constant 16 : i32
      %parallel_loop3A_228 = vector.broadcast %parallel_loop3A_227 : i32 to vector<16xi32>
      %parallel_loop3A_229 = arith.shli %parallel_loop3A_208, %parallel_loop3A_228 : vector<16xi32>
      %parallel_loop3A_230 = vector.bitcast %parallel_loop3A_229 : vector<16xi32> to vector<16xf32>
      %parallel_loop3A_231 = arith.addf %parallel_loop3A_197, %parallel_loop3A_230 : vector<16xf32>
      %parallel_loop3A_232 = arith.andi %parallel_loop3A_208, %broadcast_in_dim3A_3 : vector<16xi32>
      %parallel_loop3A_233 = vector.bitcast %parallel_loop3A_232 : vector<16xi32> to vector<16xf32>
      %parallel_loop3A_234 = arith.addf %parallel_loop3A_198, %parallel_loop3A_233 : vector<16xf32>
      %parallel_loop3A_235 = arith.constant 16 : i32
      %parallel_loop3A_236 = vector.broadcast %parallel_loop3A_235 : i32 to vector<16xi32>
      %parallel_loop3A_237 = arith.shli %parallel_loop3A_214, %parallel_loop3A_236 : vector<16xi32>
      %parallel_loop3A_238 = vector.bitcast %parallel_loop3A_237 : vector<16xi32> to vector<16xf32>
      %parallel_loop3A_239 = arith.addf %parallel_loop3A_199, %parallel_loop3A_238 : vector<16xf32>
      %parallel_loop3A_240 = arith.andi %parallel_loop3A_214, %broadcast_in_dim3A_3 : vector<16xi32>
      %parallel_loop3A_241 = vector.bitcast %parallel_loop3A_240 : vector<16xi32> to vector<16xf32>
      %parallel_loop3A_242 = arith.addf %parallel_loop3A_200, %parallel_loop3A_241 : vector<16xf32>
      %parallel_loop3A_243 = arith.constant 16 : i32
      %parallel_loop3A_244 = vector.broadcast %parallel_loop3A_243 : i32 to vector<16xi32>
      %parallel_loop3A_245 = arith.shli %parallel_loop3A_220, %parallel_loop3A_244 : vector<16xi32>
      %parallel_loop3A_246 = vector.bitcast %parallel_loop3A_245 : vector<16xi32> to vector<16xf32>
      %parallel_loop3A_247 = arith.addf %parallel_loop3A_201, %parallel_loop3A_246 : vector<16xf32>
      %parallel_loop3A_248 = arith.andi %parallel_loop3A_220, %broadcast_in_dim3A_3 : vector<16xi32>
      %parallel_loop3A_249 = vector.bitcast %parallel_loop3A_248 : vector<16xi32> to vector<16xf32>
      %parallel_loop3A_250 = arith.addf %parallel_loop3A_202, %parallel_loop3A_249 : vector<16xf32>
      %parallel_loop3A_251 = arith.constant 16 : i32
      %parallel_loop3A_252 = vector.broadcast %parallel_loop3A_251 : i32 to vector<16xi32>
      %parallel_loop3A_253 = arith.shli %parallel_loop3A_226, %parallel_loop3A_252 : vector<16xi32>
      %parallel_loop3A_254 = vector.bitcast %parallel_loop3A_253 : vector<16xi32> to vector<16xf32>
      %parallel_loop3A_255 = arith.addf %parallel_loop3A_203, %parallel_loop3A_254 : vector<16xf32>
      %parallel_loop3A_256 = arith.andi %parallel_loop3A_226, %broadcast_in_dim3A_3 : vector<16xi32>
      %parallel_loop3A_257 = vector.bitcast %parallel_loop3A_256 : vector<16xi32> to vector<16xf32>
      %parallel_loop3A_258 = arith.addf %parallel_loop3A_204, %parallel_loop3A_257 : vector<16xf32>
      scf.yield %parallel_loop3A_231, %parallel_loop3A_234, %parallel_loop3A_239, %parallel_loop3A_242, %parallel_loop3A_247, %parallel_loop3A_250, %parallel_loop3A_255, %parallel_loop3A_258 : vector<16xf32>, vector<16xf32>, vector<16xf32>, vector<16xf32>, vector<16xf32>, vector<16xf32>, vector<16xf32>, vector<16xf32>
    } {sc.loop_unroll_factor = 2 : i64, sc.parallel_access}
    %add3A_104 = arith.addf %parallel_loop3A_103#0, %parallel_loop3A_103#2 : vector<16xf32>
    %add3A_105 = arith.addf %parallel_loop3A_103#4, %parallel_loop3A_103#6 : vector<16xf32>
    %add3A_106 = arith.addf %add3A_104, %add3A_105 : vector<16xf32>
    %mul3A_107 = arith.constant 5.000000e-03 : f32
    %mul3A_108 = vector.broadcast %mul3A_107 : f32 to vector<16xf32>
    %mul3A_109 = arith.mulf %add3A_106, %mul3A_108 : vector<16xf32>
    %swap3A_110 = arith.constant 0 : i32
    %swap3A_111 = arith.index_cast %swap3A_110 : i32 to index
    %swap3A_112 = arith.constant 64 : index
    %swap3A_113 = tpu.vector_load %arg7[%swap3A_111, %swap3A_112] {strides = array<i32>} : memref<2x128xf32, #tpu.memory_space<vmem>>, vector<16xf32>,
    tpu.vector_store %arg7[%swap3A_111, %swap3A_112], %mul3A_109 {strides = array<i32>} : memref<2x128xf32, #tpu.memory_space<vmem>>, vector<16xf32>,
    %add3A_114 = arith.addf %parallel_loop3A_103#1, %parallel_loop3A_103#3 : vector<16xf32>
    %add3A_115 = arith.addf %parallel_loop3A_103#5, %parallel_loop3A_103#7 : vector<16xf32>
    %add3A_116 = arith.addf %add3A_114, %add3A_115 : vector<16xf32>
    %mul3A_117 = arith.constant 5.000000e-03 : f32
    %mul3A_118 = vector.broadcast %mul3A_117 : f32 to vector<16xf32>
    %mul3A_119 = arith.mulf %add3A_116, %mul3A_118 : vector<16xf32>
    %swap3A_120 = arith.constant 1 : i32
    %swap3A_121 = arith.index_cast %swap3A_120 : i32 to index
    %swap3A_122 = arith.constant 64 : index
    %swap3A_123 = tpu.vector_load %arg7[%swap3A_121, %swap3A_122] {strides = array<i32>} : memref<2x128xf32, #tpu.memory_space<vmem>>, vector<16xf32>,
    tpu.vector_store %arg7[%swap3A_121, %swap3A_122], %mul3A_119 {strides = array<i32>} : memref<2x128xf32, #tpu.memory_space<vmem>>, vector<16xf32>,
    %parallel_loop3A_124 = arith.constant 0 : i32
    %parallel_loop3A_125 = arith.constant 200 : i32
    %parallel_loop3A_126 = arith.constant 4 : i32
    %parallel_loop3A_127:8 = scf.for %parallel_loop3A_196 = %parallel_loop3A_124 to %parallel_loop3A_125 step %parallel_loop3A_126 iter_args(%parallel_loop3A_197 = %broadcast_in_dim3A_5, %parallel_loop3A_198 = %broadcast_in_dim3A_5, %parallel_loop3A_199 = %broadcast_in_dim3A_5, %parallel_loop3A_200 = %broadcast_in_dim3A_5, %parallel_loop3A_201 = %broadcast_in_dim3A_5, %parallel_loop3A_202 = %broadcast_in_dim3A_5, %parallel_loop3A_203 = %broadcast_in_dim3A_5, %parallel_loop3A_204 = %broadcast_in_dim3A_5) -> (vector<16xf32>, vector<16xf32>, vector<16xf32>, vector<16xf32>, vector<16xf32>, vector<16xf32>, vector<16xf32>, vector<16xf32>)  : i32 {
      %parallel_loop3A_205 = arith.index_cast %parallel_loop3A_196 : i32 to index
      %parallel_loop3A_206 = arith.constant 80 : index
      %parallel_loop3A_207 = tpu.vector_load %arg6[%parallel_loop3A_205, %parallel_loop3A_206] {strides = array<i32>} : memref<200x128xi32, #tpu.memory_space<vmem>>, vector<16xi32>,
      %parallel_loop3A_208 = tpu.vector_load_idx %arg5[%parallel_loop3A_207] : memref<30720xi32, #tpu.memory_space<vmem>>[vector<16xi32>], vector<16xi32>,
      %parallel_loop3A_209 = arith.constant 1 : i32
      %parallel_loop3A_210 = arith.addi %parallel_loop3A_196, %parallel_loop3A_209 : i32
      %parallel_loop3A_211 = arith.index_cast %parallel_loop3A_210 : i32 to index
      %parallel_loop3A_212 = arith.constant 80 : index
      %parallel_loop3A_213 = tpu.vector_load %arg6[%parallel_loop3A_211, %parallel_loop3A_212] {strides = array<i32>} : memref<200x128xi32, #tpu.memory_space<vmem>>, vector<16xi32>,
      %parallel_loop3A_214 = tpu.vector_load_idx %arg5[%parallel_loop3A_213] : memref<30720xi32, #tpu.memory_space<vmem>>[vector<16xi32>], vector<16xi32>,
      %parallel_loop3A_215 = arith.constant 2 : i32
      %parallel_loop3A_216 = arith.addi %parallel_loop3A_196, %parallel_loop3A_215 : i32
      %parallel_loop3A_217 = arith.index_cast %parallel_loop3A_216 : i32 to index
      %parallel_loop3A_218 = arith.constant 80 : index
      %parallel_loop3A_219 = tpu.vector_load %arg6[%parallel_loop3A_217, %parallel_loop3A_218] {strides = array<i32>} : memref<200x128xi32, #tpu.memory_space<vmem>>, vector<16xi32>,
      %parallel_loop3A_220 = tpu.vector_load_idx %arg5[%parallel_loop3A_219] : memref<30720xi32, #tpu.memory_space<vmem>>[vector<16xi32>], vector<16xi32>,
      %parallel_loop3A_221 = arith.constant 3 : i32
      %parallel_loop3A_222 = arith.addi %parallel_loop3A_196, %parallel_loop3A_221 : i32
      %parallel_loop3A_223 = arith.index_cast %parallel_loop3A_222 : i32 to index
      %parallel_loop3A_224 = arith.constant 80 : index
      %parallel_loop3A_225 = tpu.vector_load %arg6[%parallel_loop3A_223, %parallel_loop3A_224] {strides = array<i32>} : memref<200x128xi32, #tpu.memory_space<vmem>>, vector<16xi32>,
      %parallel_loop3A_226 = tpu.vector_load_idx %arg5[%parallel_loop3A_225] : memref<30720xi32, #tpu.memory_space<vmem>>[vector<16xi32>], vector<16xi32>,
      %parallel_loop3A_227 = arith.constant 16 : i32
      %parallel_loop3A_228 = vector.broadcast %parallel_loop3A_227 : i32 to vector<16xi32>
      %parallel_loop3A_229 = arith.shli %parallel_loop3A_208, %parallel_loop3A_228 : vector<16xi32>
      %parallel_loop3A_230 = vector.bitcast %parallel_loop3A_229 : vector<16xi32> to vector<16xf32>
      %parallel_loop3A_231 = arith.addf %parallel_loop3A_197, %parallel_loop3A_230 : vector<16xf32>
      %parallel_loop3A_232 = arith.andi %parallel_loop3A_208, %broadcast_in_dim3A_3 : vector<16xi32>
      %parallel_loop3A_233 = vector.bitcast %parallel_loop3A_232 : vector<16xi32> to vector<16xf32>
      %parallel_loop3A_234 = arith.addf %parallel_loop3A_198, %parallel_loop3A_233 : vector<16xf32>
      %parallel_loop3A_235 = arith.constant 16 : i32
      %parallel_loop3A_236 = vector.broadcast %parallel_loop3A_235 : i32 to vector<16xi32>
      %parallel_loop3A_237 = arith.shli %parallel_loop3A_214, %parallel_loop3A_236 : vector<16xi32>
      %parallel_loop3A_238 = vector.bitcast %parallel_loop3A_237 : vector<16xi32> to vector<16xf32>
      %parallel_loop3A_239 = arith.addf %parallel_loop3A_199, %parallel_loop3A_238 : vector<16xf32>
      %parallel_loop3A_240 = arith.andi %parallel_loop3A_214, %broadcast_in_dim3A_3 : vector<16xi32>
      %parallel_loop3A_241 = vector.bitcast %parallel_loop3A_240 : vector<16xi32> to vector<16xf32>
      %parallel_loop3A_242 = arith.addf %parallel_loop3A_200, %parallel_loop3A_241 : vector<16xf32>
      %parallel_loop3A_243 = arith.constant 16 : i32
      %parallel_loop3A_244 = vector.broadcast %parallel_loop3A_243 : i32 to vector<16xi32>
      %parallel_loop3A_245 = arith.shli %parallel_loop3A_220, %parallel_loop3A_244 : vector<16xi32>
      %parallel_loop3A_246 = vector.bitcast %parallel_loop3A_245 : vector<16xi32> to vector<16xf32>
      %parallel_loop3A_247 = arith.addf %parallel_loop3A_201, %parallel_loop3A_246 : vector<16xf32>
      %parallel_loop3A_248 = arith.andi %parallel_loop3A_220, %broadcast_in_dim3A_3 : vector<16xi32>
      %parallel_loop3A_249 = vector.bitcast %parallel_loop3A_248 : vector<16xi32> to vector<16xf32>
      %parallel_loop3A_250 = arith.addf %parallel_loop3A_202, %parallel_loop3A_249 : vector<16xf32>
      %parallel_loop3A_251 = arith.constant 16 : i32
      %parallel_loop3A_252 = vector.broadcast %parallel_loop3A_251 : i32 to vector<16xi32>
      %parallel_loop3A_253 = arith.shli %parallel_loop3A_226, %parallel_loop3A_252 : vector<16xi32>
      %parallel_loop3A_254 = vector.bitcast %parallel_loop3A_253 : vector<16xi32> to vector<16xf32>
      %parallel_loop3A_255 = arith.addf %parallel_loop3A_203, %parallel_loop3A_254 : vector<16xf32>
      %parallel_loop3A_256 = arith.andi %parallel_loop3A_226, %broadcast_in_dim3A_3 : vector<16xi32>
      %parallel_loop3A_257 = vector.bitcast %parallel_loop3A_256 : vector<16xi32> to vector<16xf32>
      %parallel_loop3A_258 = arith.addf %parallel_loop3A_204, %parallel_loop3A_257 : vector<16xf32>
      scf.yield %parallel_loop3A_231, %parallel_loop3A_234, %parallel_loop3A_239, %parallel_loop3A_242, %parallel_loop3A_247, %parallel_loop3A_250, %parallel_loop3A_255, %parallel_loop3A_258 : vector<16xf32>, vector<16xf32>, vector<16xf32>, vector<16xf32>, vector<16xf32>, vector<16xf32>, vector<16xf32>, vector<16xf32>
    } {sc.loop_unroll_factor = 2 : i64, sc.parallel_access}
    %add3A_128 = arith.addf %parallel_loop3A_127#0, %parallel_loop3A_127#2 : vector<16xf32>
    %add3A_129 = arith.addf %parallel_loop3A_127#4, %parallel_loop3A_127#6 : vector<16xf32>
    %add3A_130 = arith.addf %add3A_128, %add3A_129 : vector<16xf32>
    %mul3A_131 = arith.constant 5.000000e-03 : f32
    %mul3A_132 = vector.broadcast %mul3A_131 : f32 to vector<16xf32>
    %mul3A_133 = arith.mulf %add3A_130, %mul3A_132 : vector<16xf32>
    %swap3A_134 = arith.constant 0 : i32
    %swap3A_135 = arith.index_cast %swap3A_134 : i32 to index
    %swap3A_136 = arith.constant 80 : index
    %swap3A_137 = tpu.vector_load %arg7[%swap3A_135, %swap3A_136] {strides = array<i32>} : memref<2x128xf32, #tpu.memory_space<vmem>>, vector<16xf32>,
    tpu.vector_store %arg7[%swap3A_135, %swap3A_136], %mul3A_133 {strides = array<i32>} : memref<2x128xf32, #tpu.memory_space<vmem>>, vector<16xf32>,
    %add3A_138 = arith.addf %parallel_loop3A_127#1, %parallel_loop3A_127#3 : vector<16xf32>
    %add3A_139 = arith.addf %parallel_loop3A_127#5, %parallel_loop3A_127#7 : vector<16xf32>
    %add3A_140 = arith.addf %add3A_138, %add3A_139 : vector<16xf32>
    %mul3A_141 = arith.constant 5.000000e-03 : f32
    %mul3A_142 = vector.broadcast %mul3A_141 : f32 to vector<16xf32>
    %mul3A_143 = arith.mulf %add3A_140, %mul3A_142 : vector<16xf32>
    %swap3A_144 = arith.constant 1 : i32
    %swap3A_145 = arith.index_cast %swap3A_144 : i32 to index
    %swap3A_146 = arith.constant 80 : index
    %swap3A_147 = tpu.vector_load %arg7[%swap3A_145, %swap3A_146] {strides = array<i32>} : memref<2x128xf32, #tpu.memory_space<vmem>>, vector<16xf32>,
    tpu.vector_store %arg7[%swap3A_145, %swap3A_146], %mul3A_143 {strides = array<i32>} : memref<2x128xf32, #tpu.memory_space<vmem>>, vector<16xf32>,
    %parallel_loop3A_148 = arith.constant 0 : i32
    %parallel_loop3A_149 = arith.constant 200 : i32
    %parallel_loop3A_150 = arith.constant 4 : i32
    %parallel_loop3A_151:8 = scf.for %parallel_loop3A_196 = %parallel_loop3A_148 to %parallel_loop3A_149 step %parallel_loop3A_150 iter_args(%parallel_loop3A_197 = %broadcast_in_dim3A_5, %parallel_loop3A_198 = %broadcast_in_dim3A_5, %parallel_loop3A_199 = %broadcast_in_dim3A_5, %parallel_loop3A_200 = %broadcast_in_dim3A_5, %parallel_loop3A_201 = %broadcast_in_dim3A_5, %parallel_loop3A_202 = %broadcast_in_dim3A_5, %parallel_loop3A_203 = %broadcast_in_dim3A_5, %parallel_loop3A_204 = %broadcast_in_dim3A_5) -> (vector<16xf32>, vector<16xf32>, vector<16xf32>, vector<16xf32>, vector<16xf32>, vector<16xf32>, vector<16xf32>, vector<16xf32>)  : i32 {
      %parallel_loop3A_205 = arith.index_cast %parallel_loop3A_196 : i32 to index
      %parallel_loop3A_206 = arith.constant 96 : index
      %parallel_loop3A_207 = tpu.vector_load %arg6[%parallel_loop3A_205, %parallel_loop3A_206] {strides = array<i32>} : memref<200x128xi32, #tpu.memory_space<vmem>>, vector<16xi32>,
      %parallel_loop3A_208 = tpu.vector_load_idx %arg5[%parallel_loop3A_207] : memref<30720xi32, #tpu.memory_space<vmem>>[vector<16xi32>], vector<16xi32>,
      %parallel_loop3A_209 = arith.constant 1 : i32
      %parallel_loop3A_210 = arith.addi %parallel_loop3A_196, %parallel_loop3A_209 : i32
      %parallel_loop3A_211 = arith.index_cast %parallel_loop3A_210 : i32 to index
      %parallel_loop3A_212 = arith.constant 96 : index
      %parallel_loop3A_213 = tpu.vector_load %arg6[%parallel_loop3A_211, %parallel_loop3A_212] {strides = array<i32>} : memref<200x128xi32, #tpu.memory_space<vmem>>, vector<16xi32>,
      %parallel_loop3A_214 = tpu.vector_load_idx %arg5[%parallel_loop3A_213] : memref<30720xi32, #tpu.memory_space<vmem>>[vector<16xi32>], vector<16xi32>,
      %parallel_loop3A_215 = arith.constant 2 : i32
      %parallel_loop3A_216 = arith.addi %parallel_loop3A_196, %parallel_loop3A_215 : i32
      %parallel_loop3A_217 = arith.index_cast %parallel_loop3A_216 : i32 to index
      %parallel_loop3A_218 = arith.constant 96 : index
      %parallel_loop3A_219 = tpu.vector_load %arg6[%parallel_loop3A_217, %parallel_loop3A_218] {strides = array<i32>} : memref<200x128xi32, #tpu.memory_space<vmem>>, vector<16xi32>,
      %parallel_loop3A_220 = tpu.vector_load_idx %arg5[%parallel_loop3A_219] : memref<30720xi32, #tpu.memory_space<vmem>>[vector<16xi32>], vector<16xi32>,
      %parallel_loop3A_221 = arith.constant 3 : i32
      %parallel_loop3A_222 = arith.addi %parallel_loop3A_196, %parallel_loop3A_221 : i32
      %parallel_loop3A_223 = arith.index_cast %parallel_loop3A_222 : i32 to index
      %parallel_loop3A_224 = arith.constant 96 : index
      %parallel_loop3A_225 = tpu.vector_load %arg6[%parallel_loop3A_223, %parallel_loop3A_224] {strides = array<i32>} : memref<200x128xi32, #tpu.memory_space<vmem>>, vector<16xi32>,
      %parallel_loop3A_226 = tpu.vector_load_idx %arg5[%parallel_loop3A_225] : memref<30720xi32, #tpu.memory_space<vmem>>[vector<16xi32>], vector<16xi32>,
      %parallel_loop3A_227 = arith.constant 16 : i32
      %parallel_loop3A_228 = vector.broadcast %parallel_loop3A_227 : i32 to vector<16xi32>
      %parallel_loop3A_229 = arith.shli %parallel_loop3A_208, %parallel_loop3A_228 : vector<16xi32>
      %parallel_loop3A_230 = vector.bitcast %parallel_loop3A_229 : vector<16xi32> to vector<16xf32>
      %parallel_loop3A_231 = arith.addf %parallel_loop3A_197, %parallel_loop3A_230 : vector<16xf32>
      %parallel_loop3A_232 = arith.andi %parallel_loop3A_208, %broadcast_in_dim3A_3 : vector<16xi32>
      %parallel_loop3A_233 = vector.bitcast %parallel_loop3A_232 : vector<16xi32> to vector<16xf32>
      %parallel_loop3A_234 = arith.addf %parallel_loop3A_198, %parallel_loop3A_233 : vector<16xf32>
      %parallel_loop3A_235 = arith.constant 16 : i32
      %parallel_loop3A_236 = vector.broadcast %parallel_loop3A_235 : i32 to vector<16xi32>
      %parallel_loop3A_237 = arith.shli %parallel_loop3A_214, %parallel_loop3A_236 : vector<16xi32>
      %parallel_loop3A_238 = vector.bitcast %parallel_loop3A_237 : vector<16xi32> to vector<16xf32>
      %parallel_loop3A_239 = arith.addf %parallel_loop3A_199, %parallel_loop3A_238 : vector<16xf32>
      %parallel_loop3A_240 = arith.andi %parallel_loop3A_214, %broadcast_in_dim3A_3 : vector<16xi32>
      %parallel_loop3A_241 = vector.bitcast %parallel_loop3A_240 : vector<16xi32> to vector<16xf32>
      %parallel_loop3A_242 = arith.addf %parallel_loop3A_200, %parallel_loop3A_241 : vector<16xf32>
      %parallel_loop3A_243 = arith.constant 16 : i32
      %parallel_loop3A_244 = vector.broadcast %parallel_loop3A_243 : i32 to vector<16xi32>
      %parallel_loop3A_245 = arith.shli %parallel_loop3A_220, %parallel_loop3A_244 : vector<16xi32>
      %parallel_loop3A_246 = vector.bitcast %parallel_loop3A_245 : vector<16xi32> to vector<16xf32>
      %parallel_loop3A_247 = arith.addf %parallel_loop3A_201, %parallel_loop3A_246 : vector<16xf32>
      %parallel_loop3A_248 = arith.andi %parallel_loop3A_220, %broadcast_in_dim3A_3 : vector<16xi32>
      %parallel_loop3A_249 = vector.bitcast %parallel_loop3A_248 : vector<16xi32> to vector<16xf32>
      %parallel_loop3A_250 = arith.addf %parallel_loop3A_202, %parallel_loop3A_249 : vector<16xf32>
      %parallel_loop3A_251 = arith.constant 16 : i32
      %parallel_loop3A_252 = vector.broadcast %parallel_loop3A_251 : i32 to vector<16xi32>
      %parallel_loop3A_253 = arith.shli %parallel_loop3A_226, %parallel_loop3A_252 : vector<16xi32>
      %parallel_loop3A_254 = vector.bitcast %parallel_loop3A_253 : vector<16xi32> to vector<16xf32>
      %parallel_loop3A_255 = arith.addf %parallel_loop3A_203, %parallel_loop3A_254 : vector<16xf32>
      %parallel_loop3A_256 = arith.andi %parallel_loop3A_226, %broadcast_in_dim3A_3 : vector<16xi32>
      %parallel_loop3A_257 = vector.bitcast %parallel_loop3A_256 : vector<16xi32> to vector<16xf32>
      %parallel_loop3A_258 = arith.addf %parallel_loop3A_204, %parallel_loop3A_257 : vector<16xf32>
      scf.yield %parallel_loop3A_231, %parallel_loop3A_234, %parallel_loop3A_239, %parallel_loop3A_242, %parallel_loop3A_247, %parallel_loop3A_250, %parallel_loop3A_255, %parallel_loop3A_258 : vector<16xf32>, vector<16xf32>, vector<16xf32>, vector<16xf32>, vector<16xf32>, vector<16xf32>, vector<16xf32>, vector<16xf32>
    } {sc.loop_unroll_factor = 2 : i64, sc.parallel_access}
    %add3A_152 = arith.addf %parallel_loop3A_151#0, %parallel_loop3A_151#2 : vector<16xf32>
    %add3A_153 = arith.addf %parallel_loop3A_151#4, %parallel_loop3A_151#6 : vector<16xf32>
    %add3A_154 = arith.addf %add3A_152, %add3A_153 : vector<16xf32>
    %mul3A_155 = arith.constant 5.000000e-03 : f32
    %mul3A_156 = vector.broadcast %mul3A_155 : f32 to vector<16xf32>
    %mul3A_157 = arith.mulf %add3A_154, %mul3A_156 : vector<16xf32>
    %swap3A_158 = arith.constant 0 : i32
    %swap3A_159 = arith.index_cast %swap3A_158 : i32 to index
    %swap3A_160 = arith.constant 96 : index
    %swap3A_161 = tpu.vector_load %arg7[%swap3A_159, %swap3A_160] {strides = array<i32>} : memref<2x128xf32, #tpu.memory_space<vmem>>, vector<16xf32>,
    tpu.vector_store %arg7[%swap3A_159, %swap3A_160], %mul3A_157 {strides = array<i32>} : memref<2x128xf32, #tpu.memory_space<vmem>>, vector<16xf32>,
    %add3A_162 = arith.addf %parallel_loop3A_151#1, %parallel_loop3A_151#3 : vector<16xf32>
    %add3A_163 = arith.addf %parallel_loop3A_151#5, %parallel_loop3A_151#7 : vector<16xf32>
    %add3A_164 = arith.addf %add3A_162, %add3A_163 : vector<16xf32>
    %mul3A_165 = arith.constant 5.000000e-03 : f32
    %mul3A_166 = vector.broadcast %mul3A_165 : f32 to vector<16xf32>
    %mul3A_167 = arith.mulf %add3A_164, %mul3A_166 : vector<16xf32>
    %swap3A_168 = arith.constant 1 : i32
    %swap3A_169 = arith.index_cast %swap3A_168 : i32 to index
    %swap3A_170 = arith.constant 96 : index
    %swap3A_171 = tpu.vector_load %arg7[%swap3A_169, %swap3A_170] {strides = array<i32>} : memref<2x128xf32, #tpu.memory_space<vmem>>, vector<16xf32>,
    tpu.vector_store %arg7[%swap3A_169, %swap3A_170], %mul3A_167 {strides = array<i32>} : memref<2x128xf32, #tpu.memory_space<vmem>>, vector<16xf32>,
    %parallel_loop3A_172 = arith.constant 0 : i32
    %parallel_loop3A_173 = arith.constant 200 : i32
    %parallel_loop3A_174 = arith.constant 4 : i32
    %parallel_loop3A_175:8 = scf.for %parallel_loop3A_196 = %parallel_loop3A_172 to %parallel_loop3A_173 step %parallel_loop3A_174 iter_args(%parallel_loop3A_197 = %broadcast_in_dim3A_5, %parallel_loop3A_198 = %broadcast_in_dim3A_5, %parallel_loop3A_199 = %broadcast_in_dim3A_5, %parallel_loop3A_200 = %broadcast_in_dim3A_5, %parallel_loop3A_201 = %broadcast_in_dim3A_5, %parallel_loop3A_202 = %broadcast_in_dim3A_5, %parallel_loop3A_203 = %broadcast_in_dim3A_5, %parallel_loop3A_204 = %broadcast_in_dim3A_5) -> (vector<16xf32>, vector<16xf32>, vector<16xf32>, vector<16xf32>, vector<16xf32>, vector<16xf32>, vector<16xf32>, vector<16xf32>)  : i32 {
      %parallel_loop3A_205 = arith.index_cast %parallel_loop3A_196 : i32 to index
      %parallel_loop3A_206 = arith.constant 112 : index
      %parallel_loop3A_207 = tpu.vector_load %arg6[%parallel_loop3A_205, %parallel_loop3A_206] {strides = array<i32>} : memref<200x128xi32, #tpu.memory_space<vmem>>, vector<16xi32>,
      %parallel_loop3A_208 = tpu.vector_load_idx %arg5[%parallel_loop3A_207] : memref<30720xi32, #tpu.memory_space<vmem>>[vector<16xi32>], vector<16xi32>,
      %parallel_loop3A_209 = arith.constant 1 : i32
      %parallel_loop3A_210 = arith.addi %parallel_loop3A_196, %parallel_loop3A_209 : i32
      %parallel_loop3A_211 = arith.index_cast %parallel_loop3A_210 : i32 to index
      %parallel_loop3A_212 = arith.constant 112 : index
      %parallel_loop3A_213 = tpu.vector_load %arg6[%parallel_loop3A_211, %parallel_loop3A_212] {strides = array<i32>} : memref<200x128xi32, #tpu.memory_space<vmem>>, vector<16xi32>,
      %parallel_loop3A_214 = tpu.vector_load_idx %arg5[%parallel_loop3A_213] : memref<30720xi32, #tpu.memory_space<vmem>>[vector<16xi32>], vector<16xi32>,
      %parallel_loop3A_215 = arith.constant 2 : i32
      %parallel_loop3A_216 = arith.addi %parallel_loop3A_196, %parallel_loop3A_215 : i32
      %parallel_loop3A_217 = arith.index_cast %parallel_loop3A_216 : i32 to index
      %parallel_loop3A_218 = arith.constant 112 : index
      %parallel_loop3A_219 = tpu.vector_load %arg6[%parallel_loop3A_217, %parallel_loop3A_218] {strides = array<i32>} : memref<200x128xi32, #tpu.memory_space<vmem>>, vector<16xi32>,
      %parallel_loop3A_220 = tpu.vector_load_idx %arg5[%parallel_loop3A_219] : memref<30720xi32, #tpu.memory_space<vmem>>[vector<16xi32>], vector<16xi32>,
      %parallel_loop3A_221 = arith.constant 3 : i32
      %parallel_loop3A_222 = arith.addi %parallel_loop3A_196, %parallel_loop3A_221 : i32
      %parallel_loop3A_223 = arith.index_cast %parallel_loop3A_222 : i32 to index
      %parallel_loop3A_224 = arith.constant 112 : index
      %parallel_loop3A_225 = tpu.vector_load %arg6[%parallel_loop3A_223, %parallel_loop3A_224] {strides = array<i32>} : memref<200x128xi32, #tpu.memory_space<vmem>>, vector<16xi32>,
      %parallel_loop3A_226 = tpu.vector_load_idx %arg5[%parallel_loop3A_225] : memref<30720xi32, #tpu.memory_space<vmem>>[vector<16xi32>], vector<16xi32>,
      %parallel_loop3A_227 = arith.constant 16 : i32
      %parallel_loop3A_228 = vector.broadcast %parallel_loop3A_227 : i32 to vector<16xi32>
      %parallel_loop3A_229 = arith.shli %parallel_loop3A_208, %parallel_loop3A_228 : vector<16xi32>
      %parallel_loop3A_230 = vector.bitcast %parallel_loop3A_229 : vector<16xi32> to vector<16xf32>
      %parallel_loop3A_231 = arith.addf %parallel_loop3A_197, %parallel_loop3A_230 : vector<16xf32>
      %parallel_loop3A_232 = arith.andi %parallel_loop3A_208, %broadcast_in_dim3A_3 : vector<16xi32>
      %parallel_loop3A_233 = vector.bitcast %parallel_loop3A_232 : vector<16xi32> to vector<16xf32>
      %parallel_loop3A_234 = arith.addf %parallel_loop3A_198, %parallel_loop3A_233 : vector<16xf32>
      %parallel_loop3A_235 = arith.constant 16 : i32
      %parallel_loop3A_236 = vector.broadcast %parallel_loop3A_235 : i32 to vector<16xi32>
      %parallel_loop3A_237 = arith.shli %parallel_loop3A_214, %parallel_loop3A_236 : vector<16xi32>
      %parallel_loop3A_238 = vector.bitcast %parallel_loop3A_237 : vector<16xi32> to vector<16xf32>
      %parallel_loop3A_239 = arith.addf %parallel_loop3A_199, %parallel_loop3A_238 : vector<16xf32>
      %parallel_loop3A_240 = arith.andi %parallel_loop3A_214, %broadcast_in_dim3A_3 : vector<16xi32>
      %parallel_loop3A_241 = vector.bitcast %parallel_loop3A_240 : vector<16xi32> to vector<16xf32>
      %parallel_loop3A_242 = arith.addf %parallel_loop3A_200, %parallel_loop3A_241 : vector<16xf32>
      %parallel_loop3A_243 = arith.constant 16 : i32
      %parallel_loop3A_244 = vector.broadcast %parallel_loop3A_243 : i32 to vector<16xi32>
      %parallel_loop3A_245 = arith.shli %parallel_loop3A_220, %parallel_loop3A_244 : vector<16xi32>
      %parallel_loop3A_246 = vector.bitcast %parallel_loop3A_245 : vector<16xi32> to vector<16xf32>
      %parallel_loop3A_247 = arith.addf %parallel_loop3A_201, %parallel_loop3A_246 : vector<16xf32>
      %parallel_loop3A_248 = arith.andi %parallel_loop3A_220, %broadcast_in_dim3A_3 : vector<16xi32>
      %parallel_loop3A_249 = vector.bitcast %parallel_loop3A_248 : vector<16xi32> to vector<16xf32>
      %parallel_loop3A_250 = arith.addf %parallel_loop3A_202, %parallel_loop3A_249 : vector<16xf32>
      %parallel_loop3A_251 = arith.constant 16 : i32
      %parallel_loop3A_252 = vector.broadcast %parallel_loop3A_251 : i32 to vector<16xi32>
      %parallel_loop3A_253 = arith.shli %parallel_loop3A_226, %parallel_loop3A_252 : vector<16xi32>
      %parallel_loop3A_254 = vector.bitcast %parallel_loop3A_253 : vector<16xi32> to vector<16xf32>
      %parallel_loop3A_255 = arith.addf %parallel_loop3A_203, %parallel_loop3A_254 : vector<16xf32>
      %parallel_loop3A_256 = arith.andi %parallel_loop3A_226, %broadcast_in_dim3A_3 : vector<16xi32>
      %parallel_loop3A_257 = vector.bitcast %parallel_loop3A_256 : vector<16xi32> to vector<16xf32>
      %parallel_loop3A_258 = arith.addf %parallel_loop3A_204, %parallel_loop3A_257 : vector<16xf32>
      scf.yield %parallel_loop3A_231, %parallel_loop3A_234, %parallel_loop3A_239, %parallel_loop3A_242, %parallel_loop3A_247, %parallel_loop3A_250, %parallel_loop3A_255, %parallel_loop3A_258 : vector<16xf32>, vector<16xf32>, vector<16xf32>, vector<16xf32>, vector<16xf32>, vector<16xf32>, vector<16xf32>, vector<16xf32>
    } {sc.loop_unroll_factor = 2 : i64, sc.parallel_access}
    %add3A_176 = arith.addf %parallel_loop3A_175#0, %parallel_loop3A_175#2 : vector<16xf32>
    %add3A_177 = arith.addf %parallel_loop3A_175#4, %parallel_loop3A_175#6 : vector<16xf32>
    %add3A_178 = arith.addf %add3A_176, %add3A_177 : vector<16xf32>
    %mul3A_179 = arith.constant 5.000000e-03 : f32
    %mul3A_180 = vector.broadcast %mul3A_179 : f32 to vector<16xf32>
    %mul3A_181 = arith.mulf %add3A_178, %mul3A_180 : vector<16xf32>
    %swap3A_182 = arith.constant 0 : i32
    %swap3A_183 = arith.index_cast %swap3A_182 : i32 to index
    %swap3A_184 = arith.constant 112 : index
    %swap3A_185 = tpu.vector_load %arg7[%swap3A_183, %swap3A_184] {strides = array<i32>} : memref<2x128xf32, #tpu.memory_space<vmem>>, vector<16xf32>,
    tpu.vector_store %arg7[%swap3A_183, %swap3A_184], %mul3A_181 {strides = array<i32>} : memref<2x128xf32, #tpu.memory_space<vmem>>, vector<16xf32>,
    %add3A_186 = arith.addf %parallel_loop3A_175#1, %parallel_loop3A_175#3 : vector<16xf32>
    %add3A_187 = arith.addf %parallel_loop3A_175#5, %parallel_loop3A_175#7 : vector<16xf32>
    %add3A_188 = arith.addf %add3A_186, %add3A_187 : vector<16xf32>
    %mul3A_189 = arith.constant 5.000000e-03 : f32
    %mul3A_190 = vector.broadcast %mul3A_189 : f32 to vector<16xf32>
    %mul3A_191 = arith.mulf %add3A_188, %mul3A_190 : vector<16xf32>
    %swap3A_192 = arith.constant 1 : i32
    %swap3A_193 = arith.index_cast %swap3A_192 : i32 to index
    %swap3A_194 = arith.constant 112 : index
    %swap3A_195 = tpu.vector_load %arg7[%swap3A_193, %swap3A_194] {strides = array<i32>} : memref<2x128xf32, #tpu.memory_space<vmem>>, vector<16xf32>,
    tpu.vector_store %arg7[%swap3A_193, %swap3A_194], %mul3A_191 {strides = array<i32>} : memref<2x128xf32, #tpu.memory_space<vmem>>, vector<16xf32>,
    "tpu.region"() ({
      %run_scoped3A = tpu.sem_alloc : memref<!tpu.dma_semaphore, #tpu.memory_space<semaphore_mem>>
      %dma_start3A = arith.constant 0 : i32
      %dma_start3A_196 = arith.constant 0 : i32
      %dma_start3A_197 = tpu.memref_slice %arg4[%add3A, %dma_start3A, %dma_start3A_196] : memref<32x2x128xf32, #tpu.memory_space<hbm>> -> memref<1x2x128xf32, #tpu.memory_space<hbm>>
      %dma_start3A_198 = tpu.memref_squeeze %dma_start3A_197 : memref<1x2x128xf32, #tpu.memory_space<hbm>> -> memref<2x128xf32, #tpu.memory_space<hbm>>
      %dma_start3A_199 = arith.constant 0 : i32
      %dma_start3A_200 = arith.constant 0 : i32
      %dma_start3A_201 = tpu.memref_slice %arg4[%add3A, %dma_start3A_199, %dma_start3A_200] : memref<32x2x128xf32, #tpu.memory_space<hbm>> -> memref<1x2x128xf32, #tpu.memory_space<hbm>>
      %dma_start3A_202 = tpu.memref_squeeze %dma_start3A_201 : memref<1x2x128xf32, #tpu.memory_space<hbm>> -> memref<2x128xf32, #tpu.memory_space<hbm>>
      tpu.enqueue_dma source(%arg7 : memref<2x128xf32, #tpu.memory_space<vmem>>) target(%dma_start3A_202 : memref<2x128xf32, #tpu.memory_space<hbm>>) target_semaphore(%run_scoped3A : memref<!tpu.dma_semaphore, #tpu.memory_space<semaphore_mem>>)
      %dma_wait3A = arith.constant 0 : i32
      %dma_wait3A_203 = arith.constant 0 : i32
      %dma_wait3A_204 = tpu.memref_slice %arg4[%add3A, %dma_wait3A, %dma_wait3A_203] : memref<32x2x128xf32, #tpu.memory_space<hbm>> -> memref<1x2x128xf32, #tpu.memory_space<hbm>>
      %dma_wait3A_205 = tpu.memref_squeeze %dma_wait3A_204 : memref<1x2x128xf32, #tpu.memory_space<hbm>> -> memref<2x128xf32, #tpu.memory_space<hbm>>
      %dma_wait3A_206 = arith.constant 0 : i32
      %dma_wait3A_207 = arith.constant 0 : i32
      %dma_wait3A_208 = tpu.memref_slice %arg4[%add3A, %dma_wait3A_206, %dma_wait3A_207] : memref<32x2x128xf32, #tpu.memory_space<hbm>> -> memref<1x2x128xf32, #tpu.memory_space<hbm>>
      %dma_wait3A_209 = tpu.memref_squeeze %dma_wait3A_208 : memref<1x2x128xf32, #tpu.memory_space<hbm>> -> memref<2x128xf32, #tpu.memory_space<hbm>>
      tpu.wait_dma2 semaphore(%run_scoped3A : memref<!tpu.dma_semaphore, #tpu.memory_space<semaphore_mem>>) src(%arg7 : memref<2x128xf32, #tpu.memory_space<vmem>>) dst(%dma_wait3A_209 : memref<2x128xf32, #tpu.memory_space<hbm>>)
      tpu.yield
    }) : () -> ()
    return
  }
}

module attributes {stable_mosaic.version = 14 : i64} {
  func.func @_project_body(%arg0: i32, %arg1: memref<2x768xf32, #tpu.memory_space<vmem>>, %arg2: memref<2048x768xf32, #tpu.memory_space<vmem>>, %arg3: memref<2x1xf32, #tpu.memory_space<vmem>>, %arg4: memref<1x2048xi32, #tpu.memory_space<vmem>>) attributes {dimension_semantics = [#tpu.dimension_semantics<arbitrary>], iteration_bounds = array<i64: 15>, scalar_prefetch = 0 : i64, scratch_operands = 0 : i64, tpu.core_type = #tpu.core_type<tc>, window_params = [{pipeline_mode = #tpu.pipeline_mode<synchronous>, transform_indices = @transform_0, window_bounds = array<i64: 2, 768>}, {transform_indices = @transform_1, window_bounds = array<i64: 2048, 768>}, {pipeline_mode = #tpu.pipeline_mode<synchronous>, transform_indices = @transform_2, window_bounds = array<i64: 2, 1>}, {transform_indices = @transform_3, window_bounds = array<i64: 1, 2048>}]} {
    %get3A = arith.constant 0 : index
    %get3A_0 = arith.constant 0 : index
    %get3A_1 = vector.load %arg1[%get3A, %get3A_0] : memref<2x768xf32, #tpu.memory_space<vmem>>, vector<2x768xf32>
    %get3A_2 = arith.constant 0 : index
    %get3A_3 = arith.constant 0 : index
    %get3A_4 = vector.load %arg2[%get3A_2, %get3A_3] : memref<2048x768xf32, #tpu.memory_space<vmem>>, vector<2048x768xf32>
    %dot_general3A = arith.constant dense<0.000000e+00> : vector<2x2048xf32>
    %dot_general3A_5 = tpu.matmul %get3A_1, %get3A_4, %dot_general3A {dimension_numbers = #tpu.dot_dimension_numbers<[1], [1], [0], [0], [0, 0, 1, 0], [], []>, transpose_lhs_hint = false} : vector<2x768xf32>, vector<2048x768xf32>, vector<2x2048xf32> -> vector<2x2048xf32>
    %get3A_6 = arith.constant 0 : index
    %get3A_7 = arith.constant 0 : index
    %get3A_8 = vector.load %arg3[%get3A_6, %get3A_7] : memref<2x1xf32, #tpu.memory_space<vmem>>, vector<2x1xf32>
    %add3A = vector.broadcast %get3A_8 : vector<2x1xf32> to vector<2x2048xf32>
    %add3A_9 = arith.addf %dot_general3A_5, %add3A : vector<2x2048xf32>
    %convert_element_type3A = arith.truncf %add3A_9 : vector<2x2048xf32> to vector<2x2048xbf16>
    %bitcast_convert_type3A = tpu.bitcast %convert_element_type3A : vector<2x2048xbf16> -> vector<2x2048xi16>
    %slice3A = vector.extract_strided_slice %bitcast_convert_type3A {offsets = [0, 0], sizes = [1, 2048], strides = [1, 1]} : vector<2x2048xi16> to vector<1x2048xi16>
    %convert_element_type3A_10 = arith.extui %slice3A : vector<1x2048xi16> to vector<1x2048xi32>
    %slice3A_11 = vector.extract_strided_slice %bitcast_convert_type3A {offsets = [1, 0], sizes = [1, 2048], strides = [1, 1]} : vector<2x2048xi16> to vector<1x2048xi16>
    %convert_element_type3A_12 = arith.extui %slice3A_11 : vector<1x2048xi16> to vector<1x2048xi32>
    %shift_left3A = arith.constant 16 : i32
    %shift_left3A_13 = vector.broadcast %shift_left3A : i32 to vector<1x2048xi32>
    %shift_left3A_14 = arith.shli %convert_element_type3A_12, %shift_left3A_13 : vector<1x2048xi32>
    %or3A = arith.ori %shift_left3A_14, %convert_element_type3A_10 : vector<1x2048xi32>
    %bitcast_convert_type3A_15 = tpu.bitcast %or3A : vector<1x2048xi32> -> vector<1x2048xi32>
    %swap3A = arith.constant 0 : index
    %swap3A_16 = arith.constant 0 : index
    %swap3A_17 = vector.load %arg4[%swap3A, %swap3A_16] : memref<1x2048xi32, #tpu.memory_space<vmem>>, vector<1x2048xi32>
    tpu.vector_store %arg4[%swap3A, %swap3A_16], %bitcast_convert_type3A_15 {strides = array<i32>} : memref<1x2048xi32, #tpu.memory_space<vmem>>, vector<1x2048xi32>,
    return
  }
  func.func @transform_0(%arg0: i32) -> (i32, i32) {
    %c0_i32 = arith.constant 0 : i32
    %c0_i32_0 = arith.constant 0 : i32
    %c0_i32_1 = arith.constant 0 : i32
    return %c0_i32, %c0_i32_0 : i32, i32
  }
  func.func @transform_1(%arg0: i32) -> (i32, i32) {
    %c0_i32 = arith.constant 0 : i32
    %c0_i32_0 = arith.constant 0 : i32
    return %arg0, %c0_i32 : i32, i32
  }
  func.func @transform_2(%arg0: i32) -> (i32, i32) {
    %c0_i32 = arith.constant 0 : i32
    %c0_i32_0 = arith.constant 0 : i32
    %c0_i32_1 = arith.constant 0 : i32
    return %c0_i32, %c0_i32_0 : i32, i32
  }
  func.func @transform_3(%arg0: i32) -> (i32, i32) {
    %c0_i32 = arith.constant 0 : i32
    %c0_i32_0 = arith.constant 0 : i32
    return %c0_i32, %arg0 : i32, i32
  }
}

</mosaic_0001>

<sc_bundles>
// kernel: kernel.4.cloned.1.call-start
scs
__scs_entry_jumppad:
0x0: {  	(pc) =	sbr.rel $0x88, $3  }
0x1: {  	(tag) =	ssettag $0x0;
	lr =	simm.s32 $0x1  }
0x2: {  	[smem:$0x3F9D] =	sst lr;
	_ =	strace $0xD0000000  }
0x3: {  	_ = 	snop  }
0x4: {  	_ = 	snop  }
0x5: {  	_ = 	snop  }
0x6: {  	_ = 	snop  }
0x7: {  	_ = 	snop  }
__scs_overlays_trampoline_lowered:
0x8: {  	[smem:$0x3FAC] =	sst s0  }
0x9: {  	[smem:$0x3FAD] =	sst s1  }
0xa: {  	[smem:$0x3FAE] =	sst s2  }
0xb: {  	[smem:$0x3FAF] =	sst s3  }
0xc: {  	[smem:$0x3FB0] =	sst s4  }
0xd: {  	[smem:$0x3FB1] =	sst s5  }
0xe: {  	[smem:$0x3FB2] =	sst s6  }
0xf: {  	[smem:$0x3FB3] =	sst s7  }
0x10: {  	[smem:$0x3FB4] =	sst s8  }
0x11: {  	[smem:$0x3FB5] =	sst s9;
	s0 =	simm.s32 @!p0 $0x0  }
0x12: {  	s1 =	sld [smem:$0x3F9B];
	s0 =	simm.s32 @p0 $0x1  }
0x13: {  	[smem:$0x3FB6] =	sst s0;
	s0 =	simm.s32 @!p1 $0x0  }
0x14: {  	s2 =	sld [smem:$0x3F9A];
	s0 =	simm.s32 @p1 $0x1  }
0x15: {  	[smem:$0x3FB7] =	sst s0;
	s0 =	simm.s32 @!p2 $0x0  }
0x16: {  	s3 =	sld [smem:$0x3FDB];
	s0 =	simm.s32 @p2 $0x1  }
0x17: {  	s4 =	simm.s32 $0x1BF5;
	[smem:$0x3FB9] =	sst s0  }
0x18: {  	s0 =	sld [smem:$0x3F9C];
	_ =	swait.ge [sflag:s4], $0x0  }
0x19: {  	s7 =	sld [smem:$0x3F9D]  }
0x1a: {  	s8 =	sadd.s32 $0xFFFFE003, lr  }
0x1b: {  	s9 =	sadd.s32 $0xFFFFFEF7, lr;
	s5 =	simm.s32 $0xFFFFFFFF;
	p2 =	slt.u32 s8, $0xFFFFF086  }
0x1c: {  	p1 =	slt.u32 s9, $0xF7A;
	s5 =	simm.s32 @!p2 $0x0  }
0x1d: {  	s5 =	simm.s32 @p1 $0x1;
	p0 =	seq.s32 s7, s2  }
0x1e: {  	s7 =	smul.u32 @!p0 $0xF7A, s2;
	p2 =	seq.s32 @!p0 s5, $0x0  }
0x1f: {  	s9 =	smul.u32 $0xF7A, s1;
	s8 =	simm.s32 @!p0 $0x1BF5;
	p2 =	por !p2, p0  }
0x20: {  	[sflag:s8] =	ssyncset.s32 @!p0 $0xFFFFF086;
	s6 =	sadd.s32 @!p0 s3, s7;
	s7 =	simm.s32 @!p0 $0x108  }
0x21: {  	s3 =	sadd.s32 s3, s9;
	s6 =	sadd.s32 @!p0 $0x88, s6;
	s7 =	simm.s32 @p2 $0x1082  }
0x22: {  	[simem:s7], [sflag:s8] =	dma.local @!p0 [hbm:s6], $0xF7A  }
0x23: {  	s9 =	sor.u32 $0xD0000000, s2;
	s6 =	simm.s32 $0x108;
	_ =	swait.ge @!p0 [sflag:s8], $0x0  }
0x24: {  	s3 =	sadd.s32 $0x88, s3;
	s6 =	simm.s32 @!p1 $0x1082;
	[sflag:s4] =	ssyncset.s32 $0xFFFFF086  }
0x25: {  	[simem:s6], [sflag:s4] =	dma.local [hbm:s3], $0xF7A  }
0x26: {  	[smem:$0x3F9D] =	sst s1;
	(tag) =	ssettag s2;
	_ =	strace s9  }
0x27: {  	s1 =	sld [smem:$0x3FAD]  }
0x28: {  	s2 =	sld [smem:$0x3FAE]  }
0x29: {  	s4 =	sld [smem:$0x3FB0]  }
0x2a: {  	p0 =	seq.s32 s5, $0x0;
	s5 =	sld [smem:$0x3FB1]  }
0x2b: {  	s6 =	sld [smem:$0x3FB2]  }
0x2c: {  	s7 =	sld [smem:$0x3FB3]  }
0x2d: {  	s3 =	simm.s32 $0x108;
	s8 =	sld [smem:$0x3FB4]  }
0x2e: {  	s3 =	simm.s32 @!p0 $0x1082;
	s9 =	sld [smem:$0x3FB5]  }
0x2f: {  	lr =	sadd.s32 s0, s3;
	s0 =	sld [smem:$0x3FAC]  }
0x30: {  	s3 =	sld [smem:$0x3FAF]  }
0x31: {  	[smem:$0x3FB8] =	sst s10  }
0x32: {  	s10 =	sld [smem:$0x3FB6];
	_ =	sdelay $0x3  }
0x33: {  	p0 =	seq.s32 s10, $0x1;
	s10 =	sld [smem:$0x3FB8];
	_ =	sdelay $0x3  }
0x34: {  	[smem:$0x3FB8] =	sst s10  }
0x35: {  	s10 =	sld [smem:$0x3FB7];
	_ =	sdelay $0x3  }
0x36: {  	p1 =	seq.s32 s10, $0x1;
	s10 =	sld [smem:$0x3FB8];
	_ =	sdelay $0x3  }
0x37: {  	[smem:$0x3FB8] =	sst s10  }
0x38: {  	s10 =	sld [smem:$0x3FB9]  }
0x39: {  	_ = 	snop;
	(pc) =	sbr.ind lr, $3  }
0x3a: {  	_ = 	snop  }
0x3b: {  	_ = 	snop  }
0x3c: {  	p2 =	seq.s32 s10, $0x1;
	s10 =	sld [smem:$0x3FB8]  }
0x3d: {  	_ =	shalt  }
0x3e: {  	_ =	shalt  }
0x3f: {  	_ =	shalt  }
0x40: {  	_ =	shalt  }
0x41: {  	_ =	shalt  }
0x42: {  	_ =	shalt  }
0x43: {  	_ =	shalt  }
0x44: {  	_ =	shalt  }
0x45: {  	_ =	shalt  }
0x46: {  	_ =	shalt  }
0x47: {  	_ =	shalt  }
0x48: {  	_ =	shalt  }
0x49: {  	_ =	shalt  }
0x4a: {  	_ =	shalt  }
0x4b: {  	_ =	shalt  }
0x4c: {  	_ =	shalt  }
0x4d: {  	_ =	shalt  }
0x4e: {  	_ =	shalt  }
0x4f: {  	_ =	shalt  }
0x50: {  	_ =	shalt  }
0x51: {  	_ =	shalt  }
0x52: {  	_ =	shalt  }
0x53: {  	_ =	shalt  }
0x54: {  	_ =	shalt  }
0x55: {  	_ =	shalt  }
0x56: {  	_ =	shalt  }
0x57: {  	_ =	shalt  }
0x58: {  	_ =	shalt  }
0x59: {  	_ =	shalt  }
0x5a: {  	_ =	shalt  }
0x5b: {  	_ =	shalt  }
0x5c: {  	_ =	shalt  }
0x5d: {  	_ =	shalt  }
0x5e: {  	_ =	shalt  }
0x5f: {  	_ =	shalt  }
0x60: {  	_ =	shalt  }
0x61: {  	_ =	shalt  }
0x62: {  	_ =	shalt  }
0x63: {  	_ =	shalt  }
0x64: {  	_ =	shalt  }
0x65: {  	_ =	shalt  }
0x66: {  	_ =	shalt  }
0x67: {  	_ =	shalt  }
0x68: {  	_ =	shalt  }
0x69: {  	_ =	shalt  }
0x6a: {  	_ =	shalt  }
0x6b: {  	_ =	shalt  }
0x6c: {  	_ =	shalt  }
0x6d: {  	_ =	shalt  }
0x6e: {  	_ =	shalt  }
0x6f: {  	_ =	shalt  }
0x70: {  	_ =	shalt  }
0x71: {  	_ =	shalt  }
0x72: {  	_ =	shalt  }
0x73: {  	_ =	shalt  }
0x74: {  	_ =	shalt  }
0x75: {  	_ =	shalt  }
0x76: {  	_ =	shalt  }
0x77: {  	_ =	shalt  }
0x78: {  	_ =	shalt  }
0x79: {  	_ =	shalt  }
0x7a: {  	_ =	shalt  }
0x7b: {  	_ =	shalt  }
0x7c: {  	_ =	shalt  }
0x7d: {  	_ =	shalt  }
0x7e: {  	_ =	shalt  }
0x7f: {  	_ =	shalt  }
0x80: {  	_ =	shalt  }
0x81: {  	_ =	shalt  }
0x82: {  	_ =	shalt  }
0x83: {  	_ =	shalt  }
0x84: {  	_ =	shalt  }
0x85: {  	_ =	shalt  }
0x86: {  	_ =	shalt  }
0x87: {  	_ =	shalt  }
.Lfunc_end0:
.L_simem_size_0:
called_computation_lowered:
.L_overlay_start_0:
0x88: {  	s2 =	sld [smem:$0x3FD9]  }
0x89: {  	s3 =	sld [smem:$0x3FFE];
	_ =	sdelay $0x1  }
0x8a: {  	s1 =	srdreg.scid  }
0x8b: {  	s0 =	sand.u32 $0x1, s1  }
0x8c: {  	s17 =	sshll.u32 s0, $0xA;
	s2 =	sadd.s32 s3, s2  }
0x8d: {  	s2 =	sadd.s32 s2, s17  }
0x8e: {  	[smem:$0x3FC4] =	sst s2  }
0x8f: {  	_ = 	snop  }
0x90: {  	s2 =	sld [smem:$0x3FC9]  }
0x91: {  	s18 =	sld [smem:$0x3FD0];
	(tm) =	ssettm $0x1  }
0x92: {  	s4 =	sld [smem:$0x3FFB];
	_ =	sdelay $0x3  }
0x93: {  	_ =	strace s4  }
0x94: {  	s4 =	sld [smem:$0x3FFC];
	_ =	sdelay $0x3  }
0x95: {  	_ =	strace s4  }
0x96: {  	s4 =	sld [smem:$0x3FFD];
	_ =	sdelay $0x3  }
0x97: {  	_ =	strace s4  }
0x98: {  	_ =	strace $0x8FFFFFFF  }
0x99: {  	s19 =	sld [smem:$0x3FDB];
	_ =	sdelay $0x1  }
0x9a: {  	s5 =	simm.s32 $_scs_section_size  }
0x9b: {  	s6 =	simm.s32 $_size__tile_overlayer_lowered;
	s7 =	simm.s32 $_tile_overlayer_lowered  }
0x9c: {  	s22 =	simm.s32 $0x1BFF;
	s21 =	sshll.u32 s7, $0x1;
	s4 =	sadd.s32 s5, s19  }
0x9d: {  	s8 =	simm.s32 $0x0;
	s20 =	sshll.u32 s6, $0x1;
	s6 =	sadd.s32 s21, s4  }
0x9e: {  	[timem:s8], [sflag:s22] =	dma.local [hbm:s6], s20  }
0x9f: {  	_ =	swait.ge [sflag:s22], s20  }
0xa0: {  	s5 =	ssub.s32 $0x0, s20;
	[sflag:s22] =	ssyncset.done $0x0  }
0xa1: {  	[sflag:s22] =	ssyncadd.s32 s5;
	_ =	sdelay $0x1  }
0xa2: {  	s23 =	simm.s32 $0x1B8B  }
0xa3: {  	_ =	swait.ge [sflag:s23], $0x1  }
0xa4: {  	[sflag:s23] =	ssyncset.done $0x0  }
0xa5: {  	s25 =	simm.s32 $0x1B8E;
	s24 =	sld [smem:$0x3FFE];
	[sflag:s23] =	ssyncadd.s32 $0xFFFFFFFF  }
0xa6: {  	s26 =	simm.s32 $execute0_lowered;
	[smem:$0x3FD2] =	sst s25  }
0xa7: {  	s6 =	sshll.u32 s26, $0x1;
	_ =	strace $0x80000046;
	[dreg:$0x1] =	wrdreg $0xFFFFFFFF  }
0xa8: {  	s28 =	simm.s32 $_size_execute0_lowered;
	s4 =	sadd.s32 s4, s6;
	[dreg:$0x0] =	wrdreg $0x0  }
0xa9: {  	s6 =	sshll.u32 s28, $0x1;
	[dreg:$0x2] =	wrdreg s4  }
0xaa: {  	[dreg:$0x3] =	wrdreg s6  }
0xab: {  	[dreg:$0x4] =	wrdreg $0xC0  }
0xac: {  	_ =	task [dreg:s8], $0x5FFFF  }
0xad: {  	[dreg:$0x1] =	wrdreg $0xFFFFFFFF  }
0xae: {  	[dreg:$0x0] =	wrdreg $0x60  }
0xaf: {  	[dreg:$0x2] =	wrdreg s24  }
0xb0: {  	[dreg:$0x3] =	wrdreg s2  }
0xb1: {  	[dreg:$0x4] =	wrdreg s18  }
0xb2: {  	[dreg:$0x5] =	wrdreg $0x9  }
0xb3: {  	_ =	task.clear_ibuf [dreg:s8], $0x6FFFF;
	_ =	strace $0x90000046  }
0xb4: {  	s29 =	simm.s32 $0x9;
	_ =	strace $0x80000048  }
0xb5: {  	_ =	swait.ge [sflag:s29], $0x1  }
0xb6: {  	[sflag:s29] =	ssyncadd.s32 $0xFFFFFFFF  }
0xb7: {  	_ =	strace $0x90000048  }
0xb8: {  	_ =	sfence  }
0xb9: {  	s30 =	sld [smem:$0x0];
	_ =	sdelay $0x2  }
0xba: {  	s31 =	sshll.u32 s1, $0xD;
	s1 =	sshrl.u32 s1, $0x2  }
0xbb: {  	s3 =	sand.u32 $0x4000, s31;
	s1 =	sadd.s32 s1, s30  }
0xbc: {  	s0 =	sor.u32 s3, s0;
	s1 =	sshll.u32 s1, $0x11  }
0xbd: {  	s0 =	sor.u32 s1, s0  }
0xbe: {  	s0 =	sadd.s32 $0x8F2B, s0  }
0xbf: {  	[sflag:s0] =	ssyncadd.remote.s32 $0x1  }
0xc0: {  	_ =	sfence.sel $0xFFFF  }
0xc1: {  	[dreg:$0x0] =	wrdreg $0xFFFFFFFF;
	(pc) =	sbr.abs _section_cstart, $3  }
0xc2: {  	[dreg:$0x1] =	wrdreg $0xFFFFFFFF  }
0xc3: {  	_ =	task.clear_ibuf [dreg:s8], $0x2FFFF;
	_ =	strace $0x9FFFFFFF  }
0xc4: {  	(tm) =	ssettm $0x7FFFFFFF  }
0xc5: {  	_ =	shalt  }
tec
execute0_lowered:
.L_overlay_start_1:
0x0: {  	(tag) =	ssettag $0x1  }
0x1: {  	s3 =	rddreg [dreg:$0x0]  }
0x2: {  	s4 =	rddreg [dreg:$0x1]  }
0x3: {  	s5 =	rddreg [dreg:$0x2]  }
0x4: {  	s0 =	rddreg [dreg:$0x3];
	s2 =	simm.s32 $0x0;
	s6 =	srdreg.scid  }
0x5: {  	s1 =	stileid.u32;
	s10 =	simm.s32 $0x7800;
	s11 =	simm.s32 $0xDC00  }
0x6: {  	s12 =	simm.s32 $0x0;
	[smem:$0x7FF] =	sst s2;
	s6 =	sand.u32 $0x1, s6  }
0x7: {  	s8 =	sshll.u32 s1, $0x1;
	s3 =	sadd.s32 $0x800, s3;
	s7 =	ssub.s32 $0x2, s6  }
0x8: {  	_ =	strace $0x80000047;
	s6 =	sor.u32 s6, s8;
	s9 =	sshrl.u32 s7, $0x1  }
0x9: {  	s8 =	sshll.u32 s6, $0x7;
	s6 =	sshll.u32 s6, $0x5;
	s7 =	ssub.s32 s7, s9  }
0xa: {  	s4 =	sadd.s32 s4, s8;
	s5 =	sadd.s32 s5, s6;
	s8 =	simm.s32 $0x400  }
0xb: {  	s9 =	simm.s32 $0x8000;
	s6 =	smax.u32 s7, $0x1;
	s7 =	simm.s32 $0x1  }
.LBB2_1:
0xc: {  	[tilespmem:s2], [sflag:$0x1] =	stream.linear.gather [hbm4b:s3+s2], $0x7800, $0x38;
	[tilespmem:$0xDD00] =	vst v63  }
0xd: {  	_ =	swait.ge [sflag:s7], $0x7800  }
0xe: {  	[sflag:s7] =	ssyncset.done $0x0  }
0xf: {  	[sflag:s7] =	ssyncadd.s32 $0xFFFF8800  }
0x10: {  	[tilespmem:s10], [sflag:$0x1] =	stream.strided.gather [hbm4b:s4+s8], $0x6400, s9, s8, $0x38;
	[tilespmem:$0xDD00] =	vst v63  }
0x11: {  	_ =	swait.ge [sflag:s7], $0x6400  }
0x12: {  	[sflag:s7] =	ssyncset.done $0x0  }
0x13: {  	s13 =	simm.s32 $0x7A00;
	[sflag:s7] =	ssyncadd.s32 $0xFFFF9C00  }
0x14: {  	v0 =	vld [tilespmem:s13+$0x0]  }
0x15: {  	v1 =	vld [tilespmem:s13+$0x80]  }
0x16: {  	v3 =	vld [tilespmem:s13+$0x100]  }
0x17: {  	v4 =	vld [tilespmem:s13+$0xFFFFFE00]  }
0x18: {  	v13 =	vld [tilespmem:s13+$0xFFFFFE80]  }
0x19: {  	v2 =	vld [tilespmem:s13+$0x180]  }
0x1a: {  	v10 =	vld [tilespmem:s13+$0xFFFFFF00]  }
0x1b: {  	v9 =	vld [tilespmem:s13+$0xFFFFFF80]  }
0x1c: {  	v12 =	vld.idx.msk [tilespmem:v0+s2+$0x0], $0xffff  }
0x1d: {  	v11 =	vld.idx.msk [tilespmem:v1+s2+$0x0], $0xffff  }
0x1e: {  	v5 =	vimm.f32 $0.0e+00;
	v6 =	vimm.f32 $0.0e+00;
	v14 =	vld.idx.msk [tilespmem:v3+s2+$0x0], $0xffff  }
0x1f: {  	v7 =	vimm.f32 $0.0e+00;
	v8 =	vimm.f32 $0.0e+00;
	v15 =	vld.idx.msk [tilespmem:v4+s2+$0x0], $0xffff;
	v0 =	vimm.f32 $0.0e+00  }
0x20: {  	s14 =	simm.s32 $0x7E00;
	s13 =	simm.s32 $0x0;
	v13 =	vld.idx.msk [tilespmem:v13+s2+$0x0], $0xffff;
	v1 =	vimm.f32 $0.0e+00;
	v4 =	vimm.f32 $0.0e+00;
	v3 =	vimm.f32 $0.0e+00  }
.LBB2_2:
0x21: {  	v16 =	vld [tilespmem:s14+$0x0]  }
0x22: {  	v10 =	vld.idx.msk [tilespmem:v10+s2+$0x0], $0xffff  }
0x23: {  	v17 =	vld [tilespmem:s14+$0x80]  }
0x24: {  	v19 =	vshll.u32 v11, $0x10;
	v18 =	vld.idx.msk [tilespmem:v9+s2+$0x0], $0xffff;
	v9 =	vshll.u32 v12, $0x10;
	v12 =	vand.u32 $0xFFFF0000, v12  }
0x25: {  	v11 =	vand.u32 $0xFFFF0000, v11;
	v21 =	vshll.u32 v14, $0x10;
	v14 =	vand.u32 $0xFFFF0000, v14;
	v20 =	vld [tilespmem:s14+$0x100]  }
0x26: {  	v22 =	vshll.u32 v15, $0x10;
	v15 =	vand.u32 $0xFFFF0000, v15;
	v23 =	vshll.u32 v13, $0x10;
	v24 =	vld.idx.msk [tilespmem:v2+s2+$0x0], $0xffff  }
0x27: {  	v5 =	vadd.f32 v22, v5;
	v6 =	vadd.f32 v15, v6;
	v2 =	vand.u32 $0xFFFF0000, v13;
	v25 =	vld [tilespmem:s14+$0xFFFFFE00]  }
0x28: {  	v7 =	vadd.f32 v23, v7;
	v8 =	vadd.f32 v2, v8;
	v15 =	vshll.u32 v10, $0x10;
	v13 =	vld [tilespmem:s14+$0xFFFFFE80]  }
0x29: {  	v22 =	vand.u32 $0xFFFF0000, v10;
	v5 =	vadd.f32 v9, v5;
	v6 =	vadd.f32 v12, v6;
	v2 =	vld [tilespmem:s14+$0x180]  }
0x2a: {  	s13 =	sadd.s32 $0x8, s13;
	v7 =	vadd.f32 v19, v7;
	v23 =	vshll.u32 v18, $0x10;
	v8 =	vadd.f32 v11, v8;
	v10 =	vld [tilespmem:s14+$0xFFFFFF00]  }
0x2b: {  	p0 =	slt.u32 s13, $0xC0;
	v0 =	vadd.f32 v15, v0;
	v1 =	vadd.f32 v22, v1;
	v11 =	vand.u32 $0xFFFF0000, v18;
	v9 =	vld [tilespmem:s14+$0xFFFFFF80]  }
.Ltmp0:
0x2c: {  	v4 =	vadd.f32 v23, v4;
	v3 =	vadd.f32 v11, v3;
	v15 =	vshll.u32 v24, $0x10;
	v12 =	vld.idx.msk [tilespmem:v16+s2+$0x0], $0xffff;
	(pc) =	sbr.rel @p0 .LBB2_2-.Ltmp0, $4  }
0x2d: {  	v0 =	vadd.f32 v21, v0;
	v1 =	vadd.f32 v14, v1;
	v16 =	vand.u32 $0xFFFF0000, v24;
	v11 =	vld.idx.msk [tilespmem:v17+s2+$0x0], $0xffff  }
0x2e: {  	v4 =	vadd.f32 v15, v4;
	v3 =	vadd.f32 v16, v3;
	v14 =	vld.idx.msk [tilespmem:v20+s2+$0x0], $0xffff  }
0x2f: {  	v15 =	vld.idx.msk [tilespmem:v25+s2+$0x0], $0xffff  }
0x30: {  	s14 =	sadd.s32 $0x400, s14;
	v13 =	vld.idx.msk [tilespmem:v13+s2+$0x0], $0xffff  }
0x31: {  	_ =	sdelay $0x3  }
0x32: {  	v10 =	vld.idx.msk [tilespmem:v10+s2+$0x0], $0xffff  }
0x33: {  	v16 =	vshll.u32 v12, $0x10;
	v12 =	vand.u32 $0xFFFF0000, v12;
	v17 =	vshll.u32 v11, $0x10  }
0x34: {  	v9 =	vld.idx.msk [tilespmem:v9+s2+$0x0], $0xffff;
	v11 =	vand.u32 $0xFFFF0000, v11;
	v18 =	vshll.u32 v14, $0x10;
	v14 =	vand.u32 $0xFFFF0000, v14  }
0x35: {  	v19 =	vshll.u32 v15, $0x10;
	v15 =	vand.u32 $0xFFFF0000, v15;
	v20 =	vshll.u32 v13, $0x10  }
0x36: {  	v2 =	vld.idx.msk [tilespmem:v2+s2+$0x0], $0xffff;
	v5 =	vadd.f32 v19, v5;
	v6 =	vadd.f32 v15, v6;
	v13 =	vand.u32 $0xFFFF0000, v13  }
0x37: {  	v7 =	vadd.f32 v20, v7;
	v8 =	vadd.f32 v13, v8;
	v13 =	vshll.u32 v10, $0x10  }
0x38: {  	v10 =	vand.u32 $0xFFFF0000, v10;
	v5 =	vadd.f32 v16, v5;
	v6 =	vadd.f32 v12, v6  }
0x39: {  	v12 =	vshll.u32 v9, $0x10;
	v0 =	vadd.f32 v13, v0;
	v1 =	vadd.f32 v10, v1  }
0x3a: {  	v9 =	vand.u32 $0xFFFF0000, v9;
	v7 =	vadd.f32 v17, v7;
	v4 =	vadd.f32 v12, v4  }
0x3b: {  	v8 =	vadd.f32 v11, v8;
	v3 =	vadd.f32 v9, v3;
	v9 =	vshll.u32 v2, $0x10  }
0x3c: {  	v2 =	vand.u32 $0xFFFF0000, v2;
	v0 =	vadd.f32 v18, v0;
	v4 =	vadd.f32 v9, v4  }
0x3d: {  	v1 =	vadd.f32 v14, v1;
	v2 =	vadd.f32 v2, v3  }
0x3e: {  	v3 =	vadd.f32 v7, v5;
	v0 =	vadd.f32 v4, v0  }
0x3f: {  	v4 =	vadd.f32 v8, v6;
	v1 =	vadd.f32 v2, v1  }
0x40: {  	v0 =	vadd.f32 v0, v3  }
0x41: {  	v1 =	vadd.f32 v1, v4  }
0x42: {  	v0 =	vmul.f32 $4.999999890e-03, v0  }
0x43: {  	v1 =	vmul.f32 $4.999999890e-03, v1  }
0x44: {  	[tilespmem:$0xDC00] =	vst v0  }
0x45: {  	s13 =	simm.s32 $0x7A10;
	[tilespmem:$0xDC80] =	vst v1  }
0x46: {  	v0 =	vld [tilespmem:s13+$0x0]  }
0x47: {  	v1 =	vld [tilespmem:s13+$0x80]  }
0x48: {  	v3 =	vld [tilespmem:s13+$0x100]  }
0x49: {  	v4 =	vld [tilespmem:s13+$0xFFFFFE00]  }
0x4a: {  	v13 =	vld [tilespmem:s13+$0xFFFFFE80]  }
0x4b: {  	v2 =	vld [tilespmem:s13+$0x180]  }
0x4c: {  	v10 =	vld [tilespmem:s13+$0xFFFFFF00]  }
0x4d: {  	v9 =	vld [tilespmem:s13+$0xFFFFFF80]  }
0x4e: {  	v12 =	vld.idx.msk [tilespmem:v0+s2+$0x0], $0xffff  }
0x4f: {  	v11 =	vld.idx.msk [tilespmem:v1+s2+$0x0], $0xffff  }
0x50: {  	v5 =	vimm.f32 $0.0e+00;
	v7 =	vimm.f32 $0.0e+00;
	v14 =	vld.idx.msk [tilespmem:v3+s2+$0x0], $0xffff  }
0x51: {  	v6 =	vimm.f32 $0.0e+00;
	v8 =	vimm.f32 $0.0e+00;
	v15 =	vld.idx.msk [tilespmem:v4+s2+$0x0], $0xffff;
	v0 =	vimm.f32 $0.0e+00  }
0x52: {  	s14 =	simm.s32 $0x7E10;
	s13 =	simm.s32 $0x0;
	v13 =	vld.idx.msk [tilespmem:v13+s2+$0x0], $0xffff;
	v1 =	vimm.f32 $0.0e+00;
	v4 =	vimm.f32 $0.0e+00;
	v3 =	vimm.f32 $0.0e+00  }
.LBB2_4:
0x53: {  	v16 =	vld [tilespmem:s14+$0x0]  }
0x54: {  	v10 =	vld.idx.msk [tilespmem:v10+s2+$0x0], $0xffff  }
0x55: {  	v17 =	vld [tilespmem:s14+$0x80]  }
0x56: {  	v19 =	vshll.u32 v11, $0x10;
	v18 =	vld.idx.msk [tilespmem:v9+s2+$0x0], $0xffff;
	v9 =	vshll.u32 v12, $0x10;
	v12 =	vand.u32 $0xFFFF0000, v12  }
0x57: {  	v11 =	vand.u32 $0xFFFF0000, v11;
	v21 =	vshll.u32 v14, $0x10;
	v14 =	vand.u32 $0xFFFF0000, v14;
	v20 =	vld [tilespmem:s14+$0x100]  }
0x58: {  	v22 =	vshll.u32 v15, $0x10;
	v15 =	vand.u32 $0xFFFF0000, v15;
	v23 =	vshll.u32 v13, $0x10;
	v24 =	vld.idx.msk [tilespmem:v2+s2+$0x0], $0xffff  }
0x59: {  	v5 =	vadd.f32 v22, v5;
	v6 =	vadd.f32 v15, v6;
	v2 =	vand.u32 $0xFFFF0000, v13;
	v25 =	vld [tilespmem:s14+$0xFFFFFE00]  }
0x5a: {  	v7 =	vadd.f32 v23, v7;
	v8 =	vadd.f32 v2, v8;
	v15 =	vshll.u32 v10, $0x10;
	v13 =	vld [tilespmem:s14+$0xFFFFFE80]  }
0x5b: {  	v22 =	vand.u32 $0xFFFF0000, v10;
	v5 =	vadd.f32 v9, v5;
	v6 =	vadd.f32 v12, v6;
	v2 =	vld [tilespmem:s14+$0x180]  }
0x5c: {  	s13 =	sadd.s32 $0x8, s13;
	v7 =	vadd.f32 v19, v7;
	v23 =	vshll.u32 v18, $0x10;
	v8 =	vadd.f32 v11, v8;
	v10 =	vld [tilespmem:s14+$0xFFFFFF00]  }
0x5d: {  	p0 =	slt.u32 s13, $0xC0;
	v0 =	vadd.f32 v15, v0;
	v1 =	vadd.f32 v22, v1;
	v11 =	vand.u32 $0xFFFF0000, v18;
	v9 =	vld [tilespmem:s14+$0xFFFFFF80]  }
.Ltmp1:
0x5e: {  	v4 =	vadd.f32 v23, v4;
	v3 =	vadd.f32 v11, v3;
	v15 =	vshll.u32 v24, $0x10;
	v12 =	vld.idx.msk [tilespmem:v16+s2+$0x0], $0xffff;
	(pc) =	sbr.rel @p0 .LBB2_4-.Ltmp1, $4  }
0x5f: {  	v0 =	vadd.f32 v21, v0;
	v1 =	vadd.f32 v14, v1;
	v16 =	vand.u32 $0xFFFF0000, v24;
	v11 =	vld.idx.msk [tilespmem:v17+s2+$0x0], $0xffff  }
0x60: {  	v4 =	vadd.f32 v15, v4;
	v3 =	vadd.f32 v16, v3;
	v14 =	vld.idx.msk [tilespmem:v20+s2+$0x0], $0xffff  }
0x61: {  	v15 =	vld.idx.msk [tilespmem:v25+s2+$0x0], $0xffff  }
0x62: {  	s14 =	sadd.s32 $0x400, s14;
	v13 =	vld.idx.msk [tilespmem:v13+s2+$0x0], $0xffff  }
0x63: {  	_ =	sdelay $0x3  }
0x64: {  	v10 =	vld.idx.msk [tilespmem:v10+s2+$0x0], $0xffff  }
0x65: {  	v16 =	vshll.u32 v12, $0x10;
	v12 =	vand.u32 $0xFFFF0000, v12;
	v17 =	vshll.u32 v11, $0x10  }
0x66: {  	v9 =	vld.idx.msk [tilespmem:v9+s2+$0x0], $0xffff;
	v11 =	vand.u32 $0xFFFF0000, v11;
	v18 =	vshll.u32 v14, $0x10;
	v14 =	vand.u32 $0xFFFF0000, v14  }
0x67: {  	v19 =	vshll.u32 v15, $0x10;
	v15 =	vand.u32 $0xFFFF0000, v15;
	v20 =	vshll.u32 v13, $0x10  }
0x68: {  	v2 =	vld.idx.msk [tilespmem:v2+s2+$0x0], $0xffff;
	v5 =	vadd.f32 v19, v5;
	v6 =	vadd.f32 v15, v6;
	v13 =	vand.u32 $0xFFFF0000, v13  }
0x69: {  	v7 =	vadd.f32 v20, v7;
	v8 =	vadd.f32 v13, v8;
	v13 =	vshll.u32 v10, $0x10  }
0x6a: {  	v10 =	vand.u32 $0xFFFF0000, v10;
	v5 =	vadd.f32 v16, v5;
	v6 =	vadd.f32 v12, v6  }
0x6b: {  	v12 =	vshll.u32 v9, $0x10;
	v0 =	vadd.f32 v13, v0;
	v1 =	vadd.f32 v10, v1  }
0x6c: {  	v9 =	vand.u32 $0xFFFF0000, v9;
	v7 =	vadd.f32 v17, v7;
	v4 =	vadd.f32 v12, v4  }
0x6d: {  	v8 =	vadd.f32 v11, v8;
	v3 =	vadd.f32 v9, v3;
	v9 =	vshll.u32 v2, $0x10  }
0x6e: {  	v2 =	vand.u32 $0xFFFF0000, v2;
	v0 =	vadd.f32 v18, v0;
	v4 =	vadd.f32 v9, v4  }
0x6f: {  	v1 =	vadd.f32 v14, v1;
	v2 =	vadd.f32 v2, v3  }
0x70: {  	v3 =	vadd.f32 v7, v5;
	v0 =	vadd.f32 v4, v0  }
0x71: {  	v4 =	vadd.f32 v8, v6;
	v1 =	vadd.f32 v2, v1  }
0x72: {  	v0 =	vadd.f32 v0, v3  }
0x73: {  	v1 =	vadd.f32 v1, v4  }
0x74: {  	v0 =	vmul.f32 $4.999999890e-03, v0  }
0x75: {  	v1 =	vmul.f32 $4.999999890e-03, v1  }
0x76: {  	[tilespmem:$0xDC10] =	vst v0  }
0x77: {  	s13 =	simm.s32 $0x7A20;
	[tilespmem:$0xDC90] =	vst v1  }
0x78: {  	v0 =	vld [tilespmem:s13+$0x0]  }
0x79: {  	v1 =	vld [tilespmem:s13+$0x80]  }
0x7a: {  	v3 =	vld [tilespmem:s13+$0x100]  }
0x7b: {  	v4 =	vld [tilespmem:s13+$0xFFFFFE00]  }
0x7c: {  	v13 =	vld [tilespmem:s13+$0xFFFFFE80]  }
0x7d: {  	v2 =	vld [tilespmem:s13+$0x180]  }
0x7e: {  	v10 =	vld [tilespmem:s13+$0xFFFFFF00]  }
0x7f: {  	v9 =	vld [tilespmem:s13+$0xFFFFFF80]  }
0x80: {  	v12 =	vld.idx.msk [tilespmem:v0+s2+$0x0], $0xffff  }
0x81: {  	v11 =	vld.idx.msk [tilespmem:v1+s2+$0x0], $0xffff  }
0x82: {  	v5 =	vimm.f32 $0.0e+00;
	v7 =	vimm.f32 $0.0e+00;
	v14 =	vld.idx.msk [tilespmem:v3+s2+$0x0], $0xffff  }
0x83: {  	v6 =	vimm.f32 $0.0e+00;
	v8 =	vimm.f32 $0.0e+00;
	v15 =	vld.idx.msk [tilespmem:v4+s2+$0x0], $0xffff;
	v0 =	vimm.f32 $0.0e+00  }
0x84: {  	s14 =	simm.s32 $0x7E20;
	s13 =	simm.s32 $0x0;
	v13 =	vld.idx.msk [tilespmem:v13+s2+$0x0], $0xffff;
	v1 =	vimm.f32 $0.0e+00;
	v4 =	vimm.f32 $0.0e+00;
	v3 =	vimm.f32 $0.0e+00  }
.LBB2_6:
0x85: {  	v16 =	vld [tilespmem:s14+$0x0]  }
0x86: {  	v10 =	vld.idx.msk [tilespmem:v10+s2+$0x0], $0xffff  }
0x87: {  	v17 =	vld [tilespmem:s14+$0x80]  }
0x88: {  	v19 =	vshll.u32 v11, $0x10;
	v18 =	vld.idx.msk [tilespmem:v9+s2+$0x0], $0xffff;
	v9 =	vshll.u32 v12, $0x10;
	v12 =	vand.u32 $0xFFFF0000, v12  }
0x89: {  	v11 =	vand.u32 $0xFFFF0000, v11;
	v21 =	vshll.u32 v14, $0x10;
	v14 =	vand.u32 $0xFFFF0000, v14;
	v20 =	vld [tilespmem:s14+$0x100]  }
0x8a: {  	v22 =	vshll.u32 v15, $0x10;
	v15 =	vand.u32 $0xFFFF0000, v15;
	v23 =	vshll.u32 v13, $0x10;
	v24 =	vld.idx.msk [tilespmem:v2+s2+$0x0], $0xffff  }
0x8b: {  	v5 =	vadd.f32 v22, v5;
	v6 =	vadd.f32 v15, v6;
	v2 =	vand.u32 $0xFFFF0000, v13;
	v25 =	vld [tilespmem:s14+$0xFFFFFE00]  }
0x8c: {  	v7 =	vadd.f32 v23, v7;
	v8 =	vadd.f32 v2, v8;
	v15 =	vshll.u32 v10, $0x10;
	v13 =	vld [tilespmem:s14+$0xFFFFFE80]  }
0x8d: {  	v22 =	vand.u32 $0xFFFF0000, v10;
	v5 =	vadd.f32 v9, v5;
	v6 =	vadd.f32 v12, v6;
	v2 =	vld [tilespmem:s14+$0x180]  }
0x8e: {  	s13 =	sadd.s32 $0x8, s13;
	v7 =	vadd.f32 v19, v7;
	v23 =	vshll.u32 v18, $0x10;
	v8 =	vadd.f32 v11, v8;
	v10 =	vld [tilespmem:s14+$0xFFFFFF00]  }
0x8f: {  	p0 =	slt.u32 s13, $0xC0;
	v0 =	vadd.f32 v15, v0;
	v1 =	vadd.f32 v22, v1;
	v11 =	vand.u32 $0xFFFF0000, v18;
	v9 =	vld [tilespmem:s14+$0xFFFFFF80]  }
.Ltmp2:
0x90: {  	v4 =	vadd.f32 v23, v4;
	v3 =	vadd.f32 v11, v3;
	v15 =	vshll.u32 v24, $0x10;
	v12 =	vld.idx.msk [tilespmem:v16+s2+$0x0], $0xffff;
	(pc) =	sbr.rel @p0 .LBB2_6-.Ltmp2, $4  }
0x91: {  	v0 =	vadd.f32 v21, v0;
	v1 =	vadd.f32 v14, v1;
	v16 =	vand.u32 $0xFFFF0000, v24;
	v11 =	vld.idx.msk [tilespmem:v17+s2+$0x0], $0xffff  }
0x92: {  	v4 =	vadd.f32 v15, v4;
	v3 =	vadd.f32 v16, v3;
	v14 =	vld.idx.msk [tilespmem:v20+s2+$0x0], $0xffff  }
0x93: {  	v15 =	vld.idx.msk [tilespmem:v25+s2+$0x0], $0xffff  }
0x94: {  	s14 =	sadd.s32 $0x400, s14;
	v13 =	vld.idx.msk [tilespmem:v13+s2+$0x0], $0xffff  }
0x95: {  	_ =	sdelay $0x3  }
0x96: {  	v10 =	vld.idx.msk [tilespmem:v10+s2+$0x0], $0xffff  }
0x97: {  	v16 =	vshll.u32 v12, $0x10;
	v12 =	vand.u32 $0xFFFF0000, v12;
	v17 =	vshll.u32 v11, $0x10  }
0x98: {  	v9 =	vld.idx.msk [tilespmem:v9+s2+$0x0], $0xffff;
	v11 =	vand.u32 $0xFFFF0000, v11;
	v18 =	vshll.u32 v14, $0x10;
	v14 =	vand.u32 $0xFFFF0000, v14  }
0x99: {  	v19 =	vshll.u32 v15, $0x10;
	v15 =	vand.u32 $0xFFFF0000, v15;
	v20 =	vshll.u32 v13, $0x10  }
0x9a: {  	v2 =	vld.idx.msk [tilespmem:v2+s2+$0x0], $0xffff;
	v5 =	vadd.f32 v19, v5;
	v6 =	vadd.f32 v15, v6;
	v13 =	vand.u32 $0xFFFF0000, v13  }
0x9b: {  	v7 =	vadd.f32 v20, v7;
	v8 =	vadd.f32 v13, v8;
	v13 =	vshll.u32 v10, $0x10  }
0x9c: {  	v10 =	vand.u32 $0xFFFF0000, v10;
	v5 =	vadd.f32 v16, v5;
	v6 =	vadd.f32 v12, v6  }
0x9d: {  	v12 =	vshll.u32 v9, $0x10;
	v0 =	vadd.f32 v13, v0;
	v1 =	vadd.f32 v10, v1  }
0x9e: {  	v9 =	vand.u32 $0xFFFF0000, v9;
	v7 =	vadd.f32 v17, v7;
	v4 =	vadd.f32 v12, v4  }
0x9f: {  	v8 =	vadd.f32 v11, v8;
	v3 =	vadd.f32 v9, v3;
	v9 =	vshll.u32 v2, $0x10  }
0xa0: {  	v2 =	vand.u32 $0xFFFF0000, v2;
	v0 =	vadd.f32 v18, v0;
	v4 =	vadd.f32 v9, v4  }
0xa1: {  	v1 =	vadd.f32 v14, v1;
	v2 =	vadd.f32 v2, v3  }
0xa2: {  	v3 =	vadd.f32 v7, v5;
	v0 =	vadd.f32 v4, v0  }
0xa3: {  	v4 =	vadd.f32 v8, v6;
	v1 =	vadd.f32 v2, v1  }
0xa4: {  	v0 =	vadd.f32 v0, v3  }
0xa5: {  	v1 =	vadd.f32 v1, v4  }
0xa6: {  	v0 =	vmul.f32 $4.999999890e-03, v0  }
0xa7: {  	v1 =	vmul.f32 $4.999999890e-03, v1  }
0xa8: {  	[tilespmem:$0xDC20] =	vst v0  }
0xa9: {  	s13 =	simm.s32 $0x7A30;
	[tilespmem:$0xDCA0] =	vst v1  }
0xaa: {  	v0 =	vld [tilespmem:s13+$0x0]  }
0xab: {  	v1 =	vld [tilespmem:s13+$0x80]  }
0xac: {  	v3 =	vld [tilespmem:s13+$0x100]  }
0xad: {  	v4 =	vld [tilespmem:s13+$0xFFFFFE00]  }
0xae: {  	v13 =	vld [tilespmem:s13+$0xFFFFFE80]  }
0xaf: {  	v2 =	vld [tilespmem:s13+$0x180]  }
0xb0: {  	v10 =	vld [tilespmem:s13+$0xFFFFFF00]  }
0xb1: {  	v9 =	vld [tilespmem:s13+$0xFFFFFF80]  }
0xb2: {  	v12 =	vld.idx.msk [tilespmem:v0+s2+$0x0], $0xffff  }
0xb3: {  	v11 =	vld.idx.msk [tilespmem:v1+s2+$0x0], $0xffff  }
0xb4: {  	v5 =	vimm.f32 $0.0e+00;
	v7 =	vimm.f32 $0.0e+00;
	v14 =	vld.idx.msk [tilespmem:v3+s2+$0x0], $0xffff  }
0xb5: {  	v6 =	vimm.f32 $0.0e+00;
	v8 =	vimm.f32 $0.0e+00;
	v15 =	vld.idx.msk [tilespmem:v4+s2+$0x0], $0xffff;
	v0 =	vimm.f32 $0.0e+00  }
0xb6: {  	s14 =	simm.s32 $0x7E30;
	s13 =	simm.s32 $0x0;
	v13 =	vld.idx.msk [tilespmem:v13+s2+$0x0], $0xffff;
	v1 =	vimm.f32 $0.0e+00;
	v4 =	vimm.f32 $0.0e+00;
	v3 =	vimm.f32 $0.0e+00  }
.LBB2_8:
0xb7: {  	v16 =	vld [tilespmem:s14+$0x0]  }
0xb8: {  	v10 =	vld.idx.msk [tilespmem:v10+s2+$0x0], $0xffff  }
0xb9: {  	v17 =	vld [tilespmem:s14+$0x80]  }
0xba: {  	v19 =	vshll.u32 v11, $0x10;
	v18 =	vld.idx.msk [tilespmem:v9+s2+$0x0], $0xffff;
	v9 =	vshll.u32 v12, $0x10;
	v12 =	vand.u32 $0xFFFF0000, v12  }
0xbb: {  	v11 =	vand.u32 $0xFFFF0000, v11;
	v21 =	vshll.u32 v14, $0x10;
	v14 =	vand.u32 $0xFFFF0000, v14;
	v20 =	vld [tilespmem:s14+$0x100]  }
0xbc: {  	v22 =	vshll.u32 v15, $0x10;
	v15 =	vand.u32 $0xFFFF0000, v15;
	v23 =	vshll.u32 v13, $0x10;
	v24 =	vld.idx.msk [tilespmem:v2+s2+$0x0], $0xffff  }
0xbd: {  	v5 =	vadd.f32 v22, v5;
	v6 =	vadd.f32 v15, v6;
	v2 =	vand.u32 $0xFFFF0000, v13;
	v25 =	vld [tilespmem:s14+$0xFFFFFE00]  }
0xbe: {  	v7 =	vadd.f32 v23, v7;
	v8 =	vadd.f32 v2, v8;
	v15 =	vshll.u32 v10, $0x10;
	v13 =	vld [tilespmem:s14+$0xFFFFFE80]  }
0xbf: {  	v22 =	vand.u32 $0xFFFF0000, v10;
	v5 =	vadd.f32 v9, v5;
	v6 =	vadd.f32 v12, v6;
	v2 =	vld [tilespmem:s14+$0x180]  }
0xc0: {  	s13 =	sadd.s32 $0x8, s13;
	v7 =	vadd.f32 v19, v7;
	v23 =	vshll.u32 v18, $0x10;
	v8 =	vadd.f32 v11, v8;
	v10 =	vld [tilespmem:s14+$0xFFFFFF00]  }
0xc1: {  	p0 =	slt.u32 s13, $0xC0;
	v0 =	vadd.f32 v15, v0;
	v1 =	vadd.f32 v22, v1;
	v11 =	vand.u32 $0xFFFF0000, v18;
	v9 =	vld [tilespmem:s14+$0xFFFFFF80]  }
.Ltmp3:
0xc2: {  	v4 =	vadd.f32 v23, v4;
	v3 =	vadd.f32 v11, v3;
	v15 =	vshll.u32 v24, $0x10;
	v12 =	vld.idx.msk [tilespmem:v16+s2+$0x0], $0xffff;
	(pc) =	sbr.rel @p0 .LBB2_8-.Ltmp3, $4  }
0xc3: {  	v0 =	vadd.f32 v21, v0;
	v1 =	vadd.f32 v14, v1;
	v16 =	vand.u32 $0xFFFF0000, v24;
	v11 =	vld.idx.msk [tilespmem:v17+s2+$0x0], $0xffff  }
0xc4: {  	v4 =	vadd.f32 v15, v4;
	v3 =	vadd.f32 v16, v3;
	v14 =	vld.idx.msk [tilespmem:v20+s2+$0x0], $0xffff  }
0xc5: {  	v15 =	vld.idx.msk [tilespmem:v25+s2+$0x0], $0xffff  }
0xc6: {  	s14 =	sadd.s32 $0x400, s14;
	v13 =	vld.idx.msk [tilespmem:v13+s2+$0x0], $0xffff  }
0xc7: {  	_ =	sdelay $0x3  }
0xc8: {  	v10 =	vld.idx.msk [tilespmem:v10+s2+$0x0], $0xffff  }
0xc9: {  	v16 =	vshll.u32 v12, $0x10;
	v12 =	vand.u32 $0xFFFF0000, v12;
	v17 =	vshll.u32 v11, $0x10  }
0xca: {  	v9 =	vld.idx.msk [tilespmem:v9+s2+$0x0], $0xffff;
	v11 =	vand.u32 $0xFFFF0000, v11;
	v18 =	vshll.u32 v14, $0x10;
	v14 =	vand.u32 $0xFFFF0000, v14  }
0xcb: {  	v19 =	vshll.u32 v15, $0x10;
	v15 =	vand.u32 $0xFFFF0000, v15;
	v20 =	vshll.u32 v13, $0x10  }
0xcc: {  	v2 =	vld.idx.msk [tilespmem:v2+s2+$0x0], $0xffff;
	v5 =	vadd.f32 v19, v5;
	v6 =	vadd.f32 v15, v6;
	v13 =	vand.u32 $0xFFFF0000, v13  }
0xcd: {  	v7 =	vadd.f32 v20, v7;
	v8 =	vadd.f32 v13, v8;
	v13 =	vshll.u32 v10, $0x10  }
0xce: {  	v10 =	vand.u32 $0xFFFF0000, v10;
	v5 =	vadd.f32 v16, v5;
	v6 =	vadd.f32 v12, v6  }
0xcf: {  	v12 =	vshll.u32 v9, $0x10;
	v0 =	vadd.f32 v13, v0;
	v1 =	vadd.f32 v10, v1  }
0xd0: {  	v9 =	vand.u32 $0xFFFF0000, v9;
	v7 =	vadd.f32 v17, v7;
	v4 =	vadd.f32 v12, v4  }
0xd1: {  	v8 =	vadd.f32 v11, v8;
	v3 =	vadd.f32 v9, v3;
	v9 =	vshll.u32 v2, $0x10  }
0xd2: {  	v2 =	vand.u32 $0xFFFF0000, v2;
	v0 =	vadd.f32 v18, v0;
	v4 =	vadd.f32 v9, v4  }
0xd3: {  	v1 =	vadd.f32 v14, v1;
	v2 =	vadd.f32 v2, v3  }
0xd4: {  	v3 =	vadd.f32 v7, v5;
	v0 =	vadd.f32 v4, v0  }
0xd5: {  	v4 =	vadd.f32 v8, v6;
	v1 =	vadd.f32 v2, v1  }
0xd6: {  	v0 =	vadd.f32 v0, v3  }
0xd7: {  	v1 =	vadd.f32 v1, v4  }
0xd8: {  	v0 =	vmul.f32 $4.999999890e-03, v0  }
0xd9: {  	v1 =	vmul.f32 $4.999999890e-03, v1  }
0xda: {  	[tilespmem:$0xDC30] =	vst v0  }
0xdb: {  	s13 =	simm.s32 $0x7A40;
	[tilespmem:$0xDCB0] =	vst v1  }
0xdc: {  	v0 =	vld [tilespmem:s13+$0x0]  }
0xdd: {  	v1 =	vld [tilespmem:s13+$0x80]  }
0xde: {  	v3 =	vld [tilespmem:s13+$0x100]  }
0xdf: {  	v4 =	vld [tilespmem:s13+$0xFFFFFE00]  }
0xe0: {  	v13 =	vld [tilespmem:s13+$0xFFFFFE80]  }
0xe1: {  	v2 =	vld [tilespmem:s13+$0x180]  }
0xe2: {  	v10 =	vld [tilespmem:s13+$0xFFFFFF00]  }
0xe3: {  	v9 =	vld [tilespmem:s13+$0xFFFFFF80]  }
0xe4: {  	v12 =	vld.idx.msk [tilespmem:v0+s2+$0x0], $0xffff  }
0xe5: {  	v11 =	vld.idx.msk [tilespmem:v1+s2+$0x0], $0xffff  }
0xe6: {  	v5 =	vimm.f32 $0.0e+00;
	v7 =	vimm.f32 $0.0e+00;
	v14 =	vld.idx.msk [tilespmem:v3+s2+$0x0], $0xffff  }
0xe7: {  	v6 =	vimm.f32 $0.0e+00;
	v8 =	vimm.f32 $0.0e+00;
	v15 =	vld.idx.msk [tilespmem:v4+s2+$0x0], $0xffff;
	v0 =	vimm.f32 $0.0e+00  }
0xe8: {  	s14 =	simm.s32 $0x7E40;
	s13 =	simm.s32 $0x0;
	v13 =	vld.idx.msk [tilespmem:v13+s2+$0x0], $0xffff;
	v1 =	vimm.f32 $0.0e+00;
	v4 =	vimm.f32 $0.0e+00;
	v3 =	vimm.f32 $0.0e+00  }
.LBB2_10:
0xe9: {  	v16 =	vld [tilespmem:s14+$0x0]  }
0xea: {  	v10 =	vld.idx.msk [tilespmem:v10+s2+$0x0], $0xffff  }
0xeb: {  	v17 =	vld [tilespmem:s14+$0x80]  }
0xec: {  	v19 =	vshll.u32 v11, $0x10;
	v18 =	vld.idx.msk [tilespmem:v9+s2+$0x0], $0xffff;
	v9 =	vshll.u32 v12, $0x10;
	v12 =	vand.u32 $0xFFFF0000, v12  }
0xed: {  	v11 =	vand.u32 $0xFFFF0000, v11;
	v21 =	vshll.u32 v14, $0x10;
	v14 =	vand.u32 $0xFFFF0000, v14;
	v20 =	vld [tilespmem:s14+$0x100]  }
0xee: {  	v22 =	vshll.u32 v15, $0x10;
	v15 =	vand.u32 $0xFFFF0000, v15;
	v23 =	vshll.u32 v13, $0x10;
	v24 =	vld.idx.msk [tilespmem:v2+s2+$0x0], $0xffff  }
0xef: {  	v5 =	vadd.f32 v22, v5;
	v6 =	vadd.f32 v15, v6;
	v2 =	vand.u32 $0xFFFF0000, v13;
	v25 =	vld [tilespmem:s14+$0xFFFFFE00]  }
0xf0: {  	v7 =	vadd.f32 v23, v7;
	v8 =	vadd.f32 v2, v8;
	v15 =	vshll.u32 v10, $0x10;
	v13 =	vld [tilespmem:s14+$0xFFFFFE80]  }
0xf1: {  	v22 =	vand.u32 $0xFFFF0000, v10;
	v5 =	vadd.f32 v9, v5;
	v6 =	vadd.f32 v12, v6;
	v2 =	vld [tilespmem:s14+$0x180]  }
0xf2: {  	s13 =	sadd.s32 $0x8, s13;
	v7 =	vadd.f32 v19, v7;
	v23 =	vshll.u32 v18, $0x10;
	v8 =	vadd.f32 v11, v8;
	v10 =	vld [tilespmem:s14+$0xFFFFFF00]  }
0xf3: {  	p0 =	slt.u32 s13, $0xC0;
	v0 =	vadd.f32 v15, v0;
	v1 =	vadd.f32 v22, v1;
	v11 =	vand.u32 $0xFFFF0000, v18;
	v9 =	vld [tilespmem:s14+$0xFFFFFF80]  }
.Ltmp4:
0xf4: {  	v4 =	vadd.f32 v23, v4;
	v3 =	vadd.f32 v11, v3;
	v15 =	vshll.u32 v24, $0x10;
	v12 =	vld.idx.msk [tilespmem:v16+s2+$0x0], $0xffff;
	(pc) =	sbr.rel @p0 .LBB2_10-.Ltmp4, $4  }
0xf5: {  	v0 =	vadd.f32 v21, v0;
	v1 =	vadd.f32 v14, v1;
	v16 =	vand.u32 $0xFFFF0000, v24;
	v11 =	vld.idx.msk [tilespmem:v17+s2+$0x0], $0xffff  }
0xf6: {  	v4 =	vadd.f32 v15, v4;
	v3 =	vadd.f32 v16, v3;
	v14 =	vld.idx.msk [tilespmem:v20+s2+$0x0], $0xffff  }
0xf7: {  	v15 =	vld.idx.msk [tilespmem:v25+s2+$0x0], $0xffff  }
0xf8: {  	s14 =	sadd.s32 $0x400, s14;
	v13 =	vld.idx.msk [tilespmem:v13+s2+$0x0], $0xffff  }
0xf9: {  	_ =	sdelay $0x3  }
0xfa: {  	v10 =	vld.idx.msk [tilespmem:v10+s2+$0x0], $0xffff  }
0xfb: {  	v16 =	vshll.u32 v12, $0x10;
	v12 =	vand.u32 $0xFFFF0000, v12;
	v17 =	vshll.u32 v11, $0x10  }
0xfc: {  	v9 =	vld.idx.msk [tilespmem:v9+s2+$0x0], $0xffff;
	v11 =	vand.u32 $0xFFFF0000, v11;
	v18 =	vshll.u32 v14, $0x10;
	v14 =	vand.u32 $0xFFFF0000, v14  }
0xfd: {  	v19 =	vshll.u32 v15, $0x10;
	v15 =	vand.u32 $0xFFFF0000, v15;
	v20 =	vshll.u32 v13, $0x10  }
0xfe: {  	v2 =	vld.idx.msk [tilespmem:v2+s2+$0x0], $0xffff;
	v5 =	vadd.f32 v19, v5;
	v6 =	vadd.f32 v15, v6;
	v13 =	vand.u32 $0xFFFF0000, v13  }
0xff: {  	v7 =	vadd.f32 v20, v7;
	v8 =	vadd.f32 v13, v8;
	v13 =	vshll.u32 v10, $0x10  }
0x100: {  	v10 =	vand.u32 $0xFFFF0000, v10;
	v5 =	vadd.f32 v16, v5;
	v6 =	vadd.f32 v12, v6  }
0x101: {  	v12 =	vshll.u32 v9, $0x10;
	v0 =	vadd.f32 v13, v0;
	v1 =	vadd.f32 v10, v1  }
0x102: {  	v9 =	vand.u32 $0xFFFF0000, v9;
	v7 =	vadd.f32 v17, v7;
	v4 =	vadd.f32 v12, v4  }
0x103: {  	v8 =	vadd.f32 v11, v8;
	v3 =	vadd.f32 v9, v3;
	v9 =	vshll.u32 v2, $0x10  }
0x104: {  	v2 =	vand.u32 $0xFFFF0000, v2;
	v0 =	vadd.f32 v18, v0;
	v4 =	vadd.f32 v9, v4  }
0x105: {  	v1 =	vadd.f32 v14, v1;
	v2 =	vadd.f32 v2, v3  }
0x106: {  	v3 =	vadd.f32 v7, v5;
	v0 =	vadd.f32 v4, v0  }
0x107: {  	v4 =	vadd.f32 v8, v6;
	v1 =	vadd.f32 v2, v1  }
0x108: {  	v0 =	vadd.f32 v0, v3  }
0x109: {  	v1 =	vadd.f32 v1, v4  }
0x10a: {  	v0 =	vmul.f32 $4.999999890e-03, v0  }
0x10b: {  	v1 =	vmul.f32 $4.999999890e-03, v1  }
0x10c: {  	[tilespmem:$0xDC40] =	vst v0  }
0x10d: {  	s13 =	simm.s32 $0x7A50;
	[tilespmem:$0xDCC0] =	vst v1  }
0x10e: {  	v0 =	vld [tilespmem:s13+$0x0]  }
0x10f: {  	v1 =	vld [tilespmem:s13+$0x80]  }
0x110: {  	v3 =	vld [tilespmem:s13+$0x100]  }
0x111: {  	v4 =	vld [tilespmem:s13+$0xFFFFFE00]  }
0x112: {  	v13 =	vld [tilespmem:s13+$0xFFFFFE80]  }
0x113: {  	v2 =	vld [tilespmem:s13+$0x180]  }
0x114: {  	v10 =	vld [tilespmem:s13+$0xFFFFFF00]  }
0x115: {  	v9 =	vld [tilespmem:s13+$0xFFFFFF80]  }
0x116: {  	v12 =	vld.idx.msk [tilespmem:v0+s2+$0x0], $0xffff  }
0x117: {  	v11 =	vld.idx.msk [tilespmem:v1+s2+$0x0], $0xffff  }
0x118: {  	v5 =	vimm.f32 $0.0e+00;
	v7 =	vimm.f32 $0.0e+00;
	v14 =	vld.idx.msk [tilespmem:v3+s2+$0x0], $0xffff  }
0x119: {  	v6 =	vimm.f32 $0.0e+00;
	v8 =	vimm.f32 $0.0e+00;
	v15 =	vld.idx.msk [tilespmem:v4+s2+$0x0], $0xffff;
	v0 =	vimm.f32 $0.0e+00  }
0x11a: {  	s14 =	simm.s32 $0x7E50;
	s13 =	simm.s32 $0x0;
	v13 =	vld.idx.msk [tilespmem:v13+s2+$0x0], $0xffff;
	v1 =	vimm.f32 $0.0e+00;
	v4 =	vimm.f32 $0.0e+00;
	v3 =	vimm.f32 $0.0e+00  }
.LBB2_12:
0x11b: {  	v16 =	vld [tilespmem:s14+$0x0]  }
0x11c: {  	v10 =	vld.idx.msk [tilespmem:v10+s2+$0x0], $0xffff  }
0x11d: {  	v17 =	vld [tilespmem:s14+$0x80]  }
0x11e: {  	v19 =	vshll.u32 v11, $0x10;
	v18 =	vld.idx.msk [tilespmem:v9+s2+$0x0], $0xffff;
	v9 =	vshll.u32 v12, $0x10;
	v12 =	vand.u32 $0xFFFF0000, v12  }
0x11f: {  	v11 =	vand.u32 $0xFFFF0000, v11;
	v21 =	vshll.u32 v14, $0x10;
	v14 =	vand.u32 $0xFFFF0000, v14;
	v20 =	vld [tilespmem:s14+$0x100]  }
0x120: {  	v22 =	vshll.u32 v15, $0x10;
	v15 =	vand.u32 $0xFFFF0000, v15;
	v23 =	vshll.u32 v13, $0x10;
	v24 =	vld.idx.msk [tilespmem:v2+s2+$0x0], $0xffff  }
0x121: {  	v5 =	vadd.f32 v22, v5;
	v6 =	vadd.f32 v15, v6;
	v2 =	vand.u32 $0xFFFF0000, v13;
	v25 =	vld [tilespmem:s14+$0xFFFFFE00]  }
0x122: {  	v7 =	vadd.f32 v23, v7;
	v8 =	vadd.f32 v2, v8;
	v15 =	vshll.u32 v10, $0x10;
	v13 =	vld [tilespmem:s14+$0xFFFFFE80]  }
0x123: {  	v22 =	vand.u32 $0xFFFF0000, v10;
	v5 =	vadd.f32 v9, v5;
	v6 =	vadd.f32 v12, v6;
	v2 =	vld [tilespmem:s14+$0x180]  }
0x124: {  	s13 =	sadd.s32 $0x8, s13;
	v7 =	vadd.f32 v19, v7;
	v23 =	vshll.u32 v18, $0x10;
	v8 =	vadd.f32 v11, v8;
	v10 =	vld [tilespmem:s14+$0xFFFFFF00]  }
0x125: {  	p0 =	slt.u32 s13, $0xC0;
	v0 =	vadd.f32 v15, v0;
	v1 =	vadd.f32 v22, v1;
	v11 =	vand.u32 $0xFFFF0000, v18;
	v9 =	vld [tilespmem:s14+$0xFFFFFF80]  }
.Ltmp5:
0x126: {  	v4 =	vadd.f32 v23, v4;
	v3 =	vadd.f32 v11, v3;
	v15 =	vshll.u32 v24, $0x10;
	v12 =	vld.idx.msk [tilespmem:v16+s2+$0x0], $0xffff;
	(pc) =	sbr.rel @p0 .LBB2_12-.Ltmp5, $4  }
0x127: {  	v0 =	vadd.f32 v21, v0;
	v1 =	vadd.f32 v14, v1;
	v16 =	vand.u32 $0xFFFF0000, v24;
	v11 =	vld.idx.msk [tilespmem:v17+s2+$0x0], $0xffff  }
0x128: {  	v4 =	vadd.f32 v15, v4;
	v3 =	vadd.f32 v16, v3;
	v14 =	vld.idx.msk [tilespmem:v20+s2+$0x0], $0xffff  }
0x129: {  	v15 =	vld.idx.msk [tilespmem:v25+s2+$0x0], $0xffff  }
0x12a: {  	s14 =	sadd.s32 $0x400, s14;
	v13 =	vld.idx.msk [tilespmem:v13+s2+$0x0], $0xffff  }
0x12b: {  	_ =	sdelay $0x3  }
0x12c: {  	v10 =	vld.idx.msk [tilespmem:v10+s2+$0x0], $0xffff  }
0x12d: {  	v16 =	vshll.u32 v12, $0x10;
	v12 =	vand.u32 $0xFFFF0000, v12;
	v17 =	vshll.u32 v11, $0x10  }
0x12e: {  	v9 =	vld.idx.msk [tilespmem:v9+s2+$0x0], $0xffff;
	v11 =	vand.u32 $0xFFFF0000, v11;
	v18 =	vshll.u32 v14, $0x10;
	v14 =	vand.u32 $0xFFFF0000, v14  }
0x12f: {  	v19 =	vshll.u32 v15, $0x10;
	v15 =	vand.u32 $0xFFFF0000, v15;
	v20 =	vshll.u32 v13, $0x10  }
0x130: {  	v2 =	vld.idx.msk [tilespmem:v2+s2+$0x0], $0xffff;
	v5 =	vadd.f32 v19, v5;
	v6 =	vadd.f32 v15, v6;
	v13 =	vand.u32 $0xFFFF0000, v13  }
0x131: {  	v7 =	vadd.f32 v20, v7;
	v8 =	vadd.f32 v13, v8;
	v13 =	vshll.u32 v10, $0x10  }
0x132: {  	v10 =	vand.u32 $0xFFFF0000, v10;
	v5 =	vadd.f32 v16, v5;
	v6 =	vadd.f32 v12, v6  }
0x133: {  	v12 =	vshll.u32 v9, $0x10;
	v0 =	vadd.f32 v13, v0;
	v1 =	vadd.f32 v10, v1  }
0x134: {  	v9 =	vand.u32 $0xFFFF0000, v9;
	v7 =	vadd.f32 v17, v7;
	v4 =	vadd.f32 v12, v4  }
0x135: {  	v8 =	vadd.f32 v11, v8;
	v3 =	vadd.f32 v9, v3;
	v9 =	vshll.u32 v2, $0x10  }
0x136: {  	v2 =	vand.u32 $0xFFFF0000, v2;
	v0 =	vadd.f32 v18, v0;
	v4 =	vadd.f32 v9, v4  }
0x137: {  	v1 =	vadd.f32 v14, v1;
	v2 =	vadd.f32 v2, v3  }
0x138: {  	v3 =	vadd.f32 v7, v5;
	v0 =	vadd.f32 v4, v0  }
0x139: {  	v4 =	vadd.f32 v8, v6;
	v1 =	vadd.f32 v2, v1  }
0x13a: {  	v0 =	vadd.f32 v0, v3  }
0x13b: {  	v1 =	vadd.f32 v1, v4  }
0x13c: {  	v0 =	vmul.f32 $4.999999890e-03, v0  }
0x13d: {  	v1 =	vmul.f32 $4.999999890e-03, v1  }
0x13e: {  	[tilespmem:$0xDC50] =	vst v0  }
0x13f: {  	s13 =	simm.s32 $0x7A60;
	[tilespmem:$0xDCD0] =	vst v1  }
0x140: {  	v0 =	vld [tilespmem:s13+$0x0]  }
0x141: {  	v1 =	vld [tilespmem:s13+$0x80]  }
0x142: {  	v3 =	vld [tilespmem:s13+$0x100]  }
0x143: {  	v4 =	vld [tilespmem:s13+$0xFFFFFE00]  }
0x144: {  	v13 =	vld [tilespmem:s13+$0xFFFFFE80]  }
0x145: {  	v2 =	vld [tilespmem:s13+$0x180]  }
0x146: {  	v10 =	vld [tilespmem:s13+$0xFFFFFF00]  }
0x147: {  	v9 =	vld [tilespmem:s13+$0xFFFFFF80]  }
0x148: {  	v12 =	vld.idx.msk [tilespmem:v0+s2+$0x0], $0xffff  }
0x149: {  	v11 =	vld.idx.msk [tilespmem:v1+s2+$0x0], $0xffff  }
0x14a: {  	v5 =	vimm.f32 $0.0e+00;
	v7 =	vimm.f32 $0.0e+00;
	v14 =	vld.idx.msk [tilespmem:v3+s2+$0x0], $0xffff  }
0x14b: {  	v6 =	vimm.f32 $0.0e+00;
	v8 =	vimm.f32 $0.0e+00;
	v15 =	vld.idx.msk [tilespmem:v4+s2+$0x0], $0xffff;
	v0 =	vimm.f32 $0.0e+00  }
0x14c: {  	s14 =	simm.s32 $0x7E60;
	s13 =	simm.s32 $0x0;
	v13 =	vld.idx.msk [tilespmem:v13+s2+$0x0], $0xffff;
	v1 =	vimm.f32 $0.0e+00;
	v4 =	vimm.f32 $0.0e+00;
	v3 =	vimm.f32 $0.0e+00  }
.LBB2_14:
0x14d: {  	v16 =	vld [tilespmem:s14+$0x0]  }
0x14e: {  	v10 =	vld.idx.msk [tilespmem:v10+s2+$0x0], $0xffff  }
0x14f: {  	v17 =	vld [tilespmem:s14+$0x80]  }
0x150: {  	v19 =	vshll.u32 v11, $0x10;
	v18 =	vld.idx.msk [tilespmem:v9+s2+$0x0], $0xffff;
	v9 =	vshll.u32 v12, $0x10;
	v12 =	vand.u32 $0xFFFF0000, v12  }
0x151: {  	v11 =	vand.u32 $0xFFFF0000, v11;
	v21 =	vshll.u32 v14, $0x10;
	v14 =	vand.u32 $0xFFFF0000, v14;
	v20 =	vld [tilespmem:s14+$0x100]  }
0x152: {  	v22 =	vshll.u32 v15, $0x10;
	v15 =	vand.u32 $0xFFFF0000, v15;
	v23 =	vshll.u32 v13, $0x10;
	v24 =	vld.idx.msk [tilespmem:v2+s2+$0x0], $0xffff  }
0x153: {  	v5 =	vadd.f32 v22, v5;
	v6 =	vadd.f32 v15, v6;
	v2 =	vand.u32 $0xFFFF0000, v13;
	v25 =	vld [tilespmem:s14+$0xFFFFFE00]  }
0x154: {  	v7 =	vadd.f32 v23, v7;
	v8 =	vadd.f32 v2, v8;
	v15 =	vshll.u32 v10, $0x10;
	v13 =	vld [tilespmem:s14+$0xFFFFFE80]  }
0x155: {  	v22 =	vand.u32 $0xFFFF0000, v10;
	v5 =	vadd.f32 v9, v5;
	v6 =	vadd.f32 v12, v6;
	v2 =	vld [tilespmem:s14+$0x180]  }
0x156: {  	s13 =	sadd.s32 $0x8, s13;
	v7 =	vadd.f32 v19, v7;
	v23 =	vshll.u32 v18, $0x10;
	v8 =	vadd.f32 v11, v8;
	v10 =	vld [tilespmem:s14+$0xFFFFFF00]  }
0x157: {  	p0 =	slt.u32 s13, $0xC0;
	v0 =	vadd.f32 v15, v0;
	v1 =	vadd.f32 v22, v1;
	v11 =	vand.u32 $0xFFFF0000, v18;
	v9 =	vld [tilespmem:s14+$0xFFFFFF80]  }
.Ltmp6:
0x158: {  	v4 =	vadd.f32 v23, v4;
	v3 =	vadd.f32 v11, v3;
	v15 =	vshll.u32 v24, $0x10;
	v12 =	vld.idx.msk [tilespmem:v16+s2+$0x0], $0xffff;
	(pc) =	sbr.rel @p0 .LBB2_14-.Ltmp6, $4  }
0x159: {  	v0 =	vadd.f32 v21, v0;
	v1 =	vadd.f32 v14, v1;
	v16 =	vand.u32 $0xFFFF0000, v24;
	v11 =	vld.idx.msk [tilespmem:v17+s2+$0x0], $0xffff  }
0x15a: {  	v4 =	vadd.f32 v15, v4;
	v3 =	vadd.f32 v16, v3;
	v14 =	vld.idx.msk [tilespmem:v20+s2+$0x0], $0xffff  }
0x15b: {  	v15 =	vld.idx.msk [tilespmem:v25+s2+$0x0], $0xffff  }
0x15c: {  	s14 =	sadd.s32 $0x400, s14;
	v13 =	vld.idx.msk [tilespmem:v13+s2+$0x0], $0xffff  }
0x15d: {  	_ =	sdelay $0x3  }
0x15e: {  	v10 =	vld.idx.msk [tilespmem:v10+s2+$0x0], $0xffff  }
0x15f: {  	v16 =	vshll.u32 v12, $0x10;
	v12 =	vand.u32 $0xFFFF0000, v12;
	v17 =	vshll.u32 v11, $0x10  }
0x160: {  	v9 =	vld.idx.msk [tilespmem:v9+s2+$0x0], $0xffff;
	v11 =	vand.u32 $0xFFFF0000, v11;
	v18 =	vshll.u32 v14, $0x10;
	v14 =	vand.u32 $0xFFFF0000, v14  }
0x161: {  	v19 =	vshll.u32 v15, $0x10;
	v15 =	vand.u32 $0xFFFF0000, v15;
	v20 =	vshll.u32 v13, $0x10  }
0x162: {  	v2 =	vld.idx.msk [tilespmem:v2+s2+$0x0], $0xffff;
	v5 =	vadd.f32 v19, v5;
	v6 =	vadd.f32 v15, v6;
	v13 =	vand.u32 $0xFFFF0000, v13  }
0x163: {  	v7 =	vadd.f32 v20, v7;
	v8 =	vadd.f32 v13, v8;
	v13 =	vshll.u32 v10, $0x10  }
0x164: {  	v10 =	vand.u32 $0xFFFF0000, v10;
	v5 =	vadd.f32 v16, v5;
	v6 =	vadd.f32 v12, v6  }
0x165: {  	v12 =	vshll.u32 v9, $0x10;
	v0 =	vadd.f32 v13, v0;
	v1 =	vadd.f32 v10, v1  }
0x166: {  	v9 =	vand.u32 $0xFFFF0000, v9;
	v7 =	vadd.f32 v17, v7;
	v4 =	vadd.f32 v12, v4  }
0x167: {  	v8 =	vadd.f32 v11, v8;
	v3 =	vadd.f32 v9, v3;
	v9 =	vshll.u32 v2, $0x10  }
0x168: {  	v2 =	vand.u32 $0xFFFF0000, v2;
	v0 =	vadd.f32 v18, v0;
	v4 =	vadd.f32 v9, v4  }
0x169: {  	v1 =	vadd.f32 v14, v1;
	v2 =	vadd.f32 v2, v3  }
0x16a: {  	v3 =	vadd.f32 v7, v5;
	v0 =	vadd.f32 v4, v0  }
0x16b: {  	v4 =	vadd.f32 v8, v6;
	v1 =	vadd.f32 v2, v1  }
0x16c: {  	v0 =	vadd.f32 v0, v3  }
0x16d: {  	v1 =	vadd.f32 v1, v4  }
0x16e: {  	v0 =	vmul.f32 $4.999999890e-03, v0  }
0x16f: {  	v1 =	vmul.f32 $4.999999890e-03, v1  }
0x170: {  	[tilespmem:$0xDC60] =	vst v0  }
0x171: {  	s13 =	simm.s32 $0x7A70;
	[tilespmem:$0xDCE0] =	vst v1  }
0x172: {  	v0 =	vld [tilespmem:s13+$0x0]  }
0x173: {  	v1 =	vld [tilespmem:s13+$0x80]  }
0x174: {  	v3 =	vld [tilespmem:s13+$0x100]  }
0x175: {  	v4 =	vld [tilespmem:s13+$0xFFFFFE00]  }
0x176: {  	v13 =	vld [tilespmem:s13+$0xFFFFFE80]  }
0x177: {  	v2 =	vld [tilespmem:s13+$0x180]  }
0x178: {  	v10 =	vld [tilespmem:s13+$0xFFFFFF00]  }
0x179: {  	v9 =	vld [tilespmem:s13+$0xFFFFFF80]  }
0x17a: {  	v12 =	vld.idx.msk [tilespmem:v0+s2+$0x0], $0xffff  }
0x17b: {  	v11 =	vld.idx.msk [tilespmem:v1+s2+$0x0], $0xffff  }
0x17c: {  	v5 =	vimm.f32 $0.0e+00;
	v7 =	vimm.f32 $0.0e+00;
	v14 =	vld.idx.msk [tilespmem:v3+s2+$0x0], $0xffff  }
0x17d: {  	v6 =	vimm.f32 $0.0e+00;
	v8 =	vimm.f32 $0.0e+00;
	v15 =	vld.idx.msk [tilespmem:v4+s2+$0x0], $0xffff;
	v0 =	vimm.f32 $0.0e+00  }
0x17e: {  	s14 =	simm.s32 $0x7E70;
	s13 =	simm.s32 $0x0;
	v13 =	vld.idx.msk [tilespmem:v13+s2+$0x0], $0xffff;
	v1 =	vimm.f32 $0.0e+00;
	v4 =	vimm.f32 $0.0e+00;
	v3 =	vimm.f32 $0.0e+00  }
.LBB2_16:
0x17f: {  	v16 =	vld [tilespmem:s14+$0x0]  }
0x180: {  	v10 =	vld.idx.msk [tilespmem:v10+s2+$0x0], $0xffff  }
0x181: {  	v17 =	vld [tilespmem:s14+$0x80]  }
0x182: {  	v19 =	vshll.u32 v11, $0x10;
	v18 =	vld.idx.msk [tilespmem:v9+s2+$0x0], $0xffff;
	v9 =	vshll.u32 v12, $0x10;
	v12 =	vand.u32 $0xFFFF0000, v12  }
0x183: {  	v11 =	vand.u32 $0xFFFF0000, v11;
	v21 =	vshll.u32 v14, $0x10;
	v14 =	vand.u32 $0xFFFF0000, v14;
	v20 =	vld [tilespmem:s14+$0x100]  }
0x184: {  	v22 =	vshll.u32 v15, $0x10;
	v15 =	vand.u32 $0xFFFF0000, v15;
	v23 =	vshll.u32 v13, $0x10;
	v24 =	vld.idx.msk [tilespmem:v2+s2+$0x0], $0xffff  }
0x185: {  	v5 =	vadd.f32 v22, v5;
	v6 =	vadd.f32 v15, v6;
	v2 =	vand.u32 $0xFFFF0000, v13;
	v25 =	vld [tilespmem:s14+$0xFFFFFE00]  }
0x186: {  	v7 =	vadd.f32 v23, v7;
	v8 =	vadd.f32 v2, v8;
	v15 =	vshll.u32 v10, $0x10;
	v13 =	vld [tilespmem:s14+$0xFFFFFE80]  }
0x187: {  	v22 =	vand.u32 $0xFFFF0000, v10;
	v5 =	vadd.f32 v9, v5;
	v6 =	vadd.f32 v12, v6;
	v2 =	vld [tilespmem:s14+$0x180]  }
0x188: {  	s13 =	sadd.s32 $0x8, s13;
	v7 =	vadd.f32 v19, v7;
	v23 =	vshll.u32 v18, $0x10;
	v8 =	vadd.f32 v11, v8;
	v10 =	vld [tilespmem:s14+$0xFFFFFF00]  }
0x189: {  	p0 =	slt.u32 s13, $0xC0;
	v0 =	vadd.f32 v15, v0;
	v1 =	vadd.f32 v22, v1;
	v11 =	vand.u32 $0xFFFF0000, v18;
	v9 =	vld [tilespmem:s14+$0xFFFFFF80]  }
.Ltmp7:
0x18a: {  	v4 =	vadd.f32 v23, v4;
	v3 =	vadd.f32 v11, v3;
	v15 =	vshll.u32 v24, $0x10;
	v12 =	vld.idx.msk [tilespmem:v16+s2+$0x0], $0xffff;
	(pc) =	sbr.rel @p0 .LBB2_16-.Ltmp7, $4  }
0x18b: {  	v0 =	vadd.f32 v21, v0;
	v1 =	vadd.f32 v14, v1;
	v16 =	vand.u32 $0xFFFF0000, v24;
	v11 =	vld.idx.msk [tilespmem:v17+s2+$0x0], $0xffff  }
0x18c: {  	v4 =	vadd.f32 v15, v4;
	v3 =	vadd.f32 v16, v3;
	v14 =	vld.idx.msk [tilespmem:v20+s2+$0x0], $0xffff  }
0x18d: {  	v15 =	vld.idx.msk [tilespmem:v25+s2+$0x0], $0xffff  }
0x18e: {  	s14 =	sadd.s32 $0x400, s14;
	v13 =	vld.idx.msk [tilespmem:v13+s2+$0x0], $0xffff  }
0x18f: {  	_ =	sdelay $0x3  }
0x190: {  	v10 =	vld.idx.msk [tilespmem:v10+s2+$0x0], $0xffff  }
0x191: {  	v16 =	vshll.u32 v12, $0x10;
	v54 =	vand.u32 $0xFFFF0000, v12;
	v9 =	vld.idx.msk [tilespmem:v9+s2+$0x0], $0xffff;
	v17 =	vshll.u32 v11, $0x10  }
0x192: {  	v55 =	vand.u32 $0xFFFF0000, v11;
	v18 =	vshll.u32 v14, $0x10;
	v19 =	vshll.u32 v15, $0x10  }
0x193: {  	v57 =	vand.u32 $0xFFFF0000, v15;
	v20 =	vshll.u32 v13, $0x10;
	v5 =	vadd.f32 v19, v5  }
0x194: {  	v2 =	vld.idx.msk [tilespmem:v2+s2+$0x0], $0xffff;
	v6 =	vadd.f32 v57, v6;
	v58 =	vand.u32 $0xFFFF0000, v13;
	v7 =	vadd.f32 v20, v7  }
0x195: {  	v8 =	vadd.f32 v58, v8;
	v59 =	vshll.u32 v10, $0x10;
	v10 =	vand.u32 $0xFFFF0000, v10  }
0x196: {  	v60 =	vshll.u32 v9, $0x10;
	v5 =	vadd.f32 v16, v5;
	v6 =	vadd.f32 v54, v6  }
0x197: {  	v9 =	vand.u32 $0xFFFF0000, v9;
	v0 =	vadd.f32 v59, v0;
	v4 =	vadd.f32 v60, v4  }
0x198: {  	v56 =	vand.u32 $0xFFFF0000, v14;
	v1 =	vadd.f32 v10, v1;
	v3 =	vadd.f32 v9, v3  }
0x199: {  	v61 =	vshll.u32 v2, $0x10;
	v7 =	vadd.f32 v17, v7;
	v8 =	vadd.f32 v55, v8  }
0x19a: {  	v2 =	vand.u32 $0xFFFF0000, v2;
	v0 =	vadd.f32 v18, v0;
	v4 =	vadd.f32 v61, v4  }
0x19b: {  	v1 =	vadd.f32 v56, v1;
	v2 =	vadd.f32 v2, v3  }
0x19c: {  	v62 =	vadd.f32 v7, v5;
	v0 =	vadd.f32 v4, v0  }
0x19d: {  	v63 =	vadd.f32 v8, v6;
	v1 =	vadd.f32 v2, v1  }
0x19e: {  	v0 =	vadd.f32 v0, v62  }
0x19f: {  	v1 =	vadd.f32 v1, v63  }
0x1a0: {  	v0 =	vmul.f32 $4.999999890e-03, v0  }
0x1a1: {  	s12 =	sadd.s32 $0x1, s12;
	v1 =	vmul.f32 $4.999999890e-03, v1  }
0x1a2: {  	p0 =	sne.s32 s12, s6;
	[tilespmem:$0xDC70] =	vst v0  }
.Ltmp8:
0x1a3: {  	[tilespmem:$0xDCF0] =	vst v1;
	(pc) =	sbr.rel @p0 .LBB2_1-.Ltmp8, $4  }
0x1a4: {  	[hbm4b:s5+s2] =	stream.linear.scatter [tilespmem:s11], [sflag:$0x1], $0x100, $0x38;
	[tilespmem:$0xDD00] =	vst v63  }
0x1a5: {  	_ =	swait.ge [sflag:s7], $0x100  }
0x1a6: {  	[sflag:s7] =	ssyncset.done $0x0  }
0x1a7: {  	[sflag:s7] =	ssyncadd.s32 $0xFFFFFF00  }
0x1a8: {  	_ =	sfence.sel $0x180000  }
0x1a9: {  	[bflag:$0x0] =	sbarrier.arrive $0xFFFF  }
0x1aa: {  	p0 =	sne.s32 s1, $0x0;
	_ =	strace $0x90000047  }
0x1ab: {  	s0 =	sadd.s32 @!p0 $0x100000, s0;
	[bflag:$0x2] =	sbarrier.arrive $0xFFFF  }
0x1ac: {  	[sflag:s0] =	ssyncadd.tile.s32 @!p0 $0x1;
	_ =	shalt  }
.Lfunc_end2:
_tile_overlayer_lowered:
.L_overlay_start_2:
0x1ad: {  	(tag) =	ssettag $0x2  }
0x1ae: {  	s0 =	rddreg [dreg:$0x0];
	s2 =	stileid.u32  }
0x1af: {  	s1 =	rddreg [dreg:$0x1];
	p0 =	sne.s32 s2, $0x0  }
0x1b0: {  	s3 =	rddreg [dreg:$0x2];
	[bflag:$0x3] =	sbarrier.arrive $0xFFFF;
	s2 =	simm.s32 @!p0 $0x1C01  }
0x1b1: {  	[timem:s3], [sflag:s2] =	dma.local @!p0 [hbm:s0], s1  }
0x1b2: {  	s0 =	simm.s32 @!p0 $0x1  }
0x1b3: {  	_ =	swait.ge @!p0 [sflag:s0], s1  }
0x1b4: {  	s1 =	ssub.s32 @!p0 $0x0, s1;
	[sflag:s0] =	ssyncset.done @!p0 $0x0  }
0x1b5: {  	[sflag:s0] =	ssyncadd.s32 @!p0 s1  }
0x1b6: {  	[bflag:$0x3] =	sbarrier.arrive $0xFFFF  }
0x1b7: {  	_ =	shalt  }

</sc_bundles>
